<compile_context>
chip_gen: v7x
topology: tpu7x:2x2x1
jax: 0.10.2.dev20260603
libtpu: 0.0.44.dev20260713+nightly
codegen_flags: <defaults>
</compile_context>

<pallas_src>
import jax
import jax.numpy as jnp
from jax import lax
from jax.experimental import pallas as pl
from jax.experimental.pallas import tpu as pltpu
from jax.experimental.pallas import tpu_sc as plsc

_C = 3
_F = 5
_K = _F * _F
_HO = 48
_WO = 48
_HI = _HO + _F - 1
_WI = _WO + _F - 1
_NPIX = _HO * _WO
_NWORKERS = 32
_PPW = _NPIX // _NWORKERS
_NVEC = (_PPW + 15) // 16
_ROX = 0
_ROY = _K
_RMK = 2 * _K
_RVT = 3 * _K
_RHT = 3 * _K + _F
_NSTK = 3 * _K + 2 * _F


def _dsep_body(stk_hbm, inp_hbm, out_hbm, stk_v, inp_v, out_v, sem):
  wid = lax.axis_index("s") * 2 + lax.axis_index("c")
  base = wid * _PPW

  copies = [
      pltpu.async_copy(stk_hbm.at[:, pl.ds(base, _PPW)],
                       stk_v.at[:, pl.ds(0, _PPW)], sem),
      pltpu.async_copy(inp_hbm.at[0], inp_v, sem),
  ]
  for cp in copies:
    cp.wait()

  iota = lax.broadcasted_iota(jnp.int32, (16,), 0)
  zero = jnp.zeros((16,), jnp.float32)
  zero_i = jnp.zeros((16,), jnp.int32)

  def vec_body(vec, _):
    lp = jnp.minimum(iota + vec * 16, _PPW - 1)
    pix = lp + base
    h = lax.div(pix, _WO)
    w = pix - h * _WO
    h_f = h.astype(jnp.float32)
    w_f = w.astype(jnp.float32)
    def body(k, accs, lp=lp, h_f=h_f, w_f=w_f):
      a0, a1, a2 = accs
      fy = lax.div(k, _F)
      fx = k - fy * _F
      kv = zero_i + k
      fyv = zero_i + fy
      ox = plsc.load_gather(stk_v, [kv + _ROX, lp])
      oy = plsc.load_gather(stk_v, [kv + _ROY, lp])
      mk = plsc.load_gather(stk_v, [kv + _RMK, lp])
      vv = plsc.load_gather(stk_v, [fyv + _RVT, lp])
      hh = plsc.load_gather(stk_v, [(kv - fyv * _F) + _RHT, lp])
      pos_x = oy + (w_f + (fx.astype(jnp.float32) - 1.0))
      pos_y = ox + (h_f + (fy.astype(jnp.float32) - 1.0))
      pos_x = jnp.minimum(jnp.maximum(pos_x, 0.0), float(_WI - 1))
      pos_y = jnp.minimum(jnp.maximum(pos_y, 0.0), float(_HI - 1))
      left = pos_x.astype(jnp.int32)
      top = pos_y.astype(jnp.int32)
      fracx = pos_x - left.astype(jnp.float32)
      fracy = pos_y - top.astype(jnp.float32)
      row_t = top * _WI
      row_b = jnp.minimum(row_t + _WI, (_HI - 1) * _WI)
      i_tl = row_t + left
      i_tr = jnp.minimum(i_tl + 1, row_t + (_WI - 1))
      dx = i_tr - i_tl
      i_bl = row_b + left
      i_br = i_bl + dx
      wgt = vv * hh * mk
      outs = []
      for acc, off in zip((a0, a1, a2), (0, _HI * _WI, 2 * _HI * _WI)):
        tl = plsc.load_gather(inp_v, [i_tl + off])
        tr = plsc.load_gather(inp_v, [i_tr + off])
        bl = plsc.load_gather(inp_v, [i_bl + off])
        br = plsc.load_gather(inp_v, [i_br + off])
        top_l = tl + fracx * (tr - tl)
        bot_l = bl + fracx * (br - bl)
        val = top_l + fracy * (bot_l - top_l)
        outs.append(acc + val * wgt)
      return tuple(outs)

    a0, a1, a2 = lax.fori_loop(0, _K, body, (zero, zero, zero))
    for c, acc in zip(range(_C), (a0, a1, a2)):
      out_v[pl.ds(c * 80 + vec * 16, 16)] = acc
    return 0

  lax.fori_loop(0, _NVEC, vec_body, 0)

  for c in range(_C):
    pltpu.sync_copy(out_v.at[pl.ds(c * 80, _PPW)],
                    out_hbm.at[c, pl.ds(base, _PPW)])


@jax.jit
def _dsepconv_sc(stk, inp):
  mesh = plsc.VectorSubcoreMesh(core_axis_name="c", subcore_axis_name="s")
  run = pl.kernel(
      _dsep_body,
      out_type=jax.ShapeDtypeStruct((_C, _NPIX), jnp.float32),
      mesh=mesh,
      compiler_params=pltpu.CompilerParams(
          needs_layout_passes=False, use_tc_tiling_on_sc=False),
      scratch_types=[
          pltpu.VMEM((_NSTK, 80), jnp.float32),
          pltpu.VMEM((_C * _HI * _WI,), jnp.float32),
          pltpu.VMEM((_C * 80,), jnp.float32),
          pltpu.SemaphoreType.DMA,
      ],
  )
  return run(stk, inp)


def kernel(tensorInput, tensorVertical, tensorHorizontal, tensorOffsetX,
           tensorOffsetY, tensorMask):
  stk = jnp.concatenate([
      tensorOffsetX.reshape(_K, _NPIX),
      tensorOffsetY.reshape(_K, _NPIX),
      tensorMask.reshape(_K, _NPIX),
      tensorVertical.reshape(_F, _NPIX),
      tensorHorizontal.reshape(_F, _NPIX),
  ], axis=0)
  inp = tensorInput.reshape(1, _C * _HI * _WI)
  out = _dsepconv_sc(stk, inp)
  return out.reshape(1, _C, _HO, _WO)

# --- scband reference (transcript-rebuilt; emitter-appended) ---
"""Pipeline reference for scband-module-dsepconv-cpu-44547400794794 (READ-ONLY COPY).

The authoritative reference and input builder live on the scoring server;
editing this copy changes nothing except your own understanding.
"""

import jax, jax.numpy as jnp
import numpy as np


def setup_inputs(seed: int = 0) -> dict:
    key = jax.random.key(seed)
    ks = jax.random.split(key, 6)
    B, C, F, Ho, Wo = 1, 3, 5, 48, 48
    Hi, Wi = Ho + F - 1, Wo + F - 1
    return {
        "tensorInput": jax.random.normal(ks[0], (B, C, Hi, Wi), dtype=jnp.float32),
        "tensorVertical": jax.random.uniform(ks[1], (B, F, Ho, Wo), dtype=jnp.float32),
        "tensorHorizontal": jax.random.uniform(ks[2], (B, F, Ho, Wo), dtype=jnp.float32),
        "tensorOffsetX": jax.random.normal(ks[3], (B, F * F, Ho, Wo), dtype=jnp.float32),
        "tensorOffsetY": jax.random.normal(ks[4], (B, F * F, Ho, Wo), dtype=jnp.float32),
        "tensorMask": jax.random.uniform(ks[5], (B, F * F, Ho, Wo), dtype=jnp.float32),
    }


def _dsepconv(inp, vertical, horizontal, offset_x, offset_y, mask):
    B, C, Hi, Wi = inp.shape
    F = min(vertical.shape[1], horizontal.shape[1])
    Ho = min(vertical.shape[2], horizontal.shape[2])
    Wo = min(vertical.shape[3], horizontal.shape[3])
    K = F * F
    k = jnp.arange(K)
    fy = (k // F).astype(jnp.float32)
    fx = (k % F).astype(jnp.float32)
    hh = jnp.arange(Ho, dtype=jnp.float32)
    ww = jnp.arange(Wo, dtype=jnp.float32)
    # NOTE: original code reads delta_x from offset_y and delta_y from offset_x
    pos_x = offset_y + (ww[None, None, None, :] + fx[None, :, None, None] - (F - 1) / 2.0 + 1.0)
    pos_y = offset_x + (hh[None, None, :, None] + fy[None, :, None, None] - (F - 1) / 2.0 + 1.0)
    pos_x = jnp.clip(pos_x, 0.0, Wi - 1.0)
    pos_y = jnp.clip(pos_y, 0.0, Hi - 1.0)
    left = jnp.floor(pos_x).astype(jnp.int32)
    top = jnp.floor(pos_y).astype(jnp.int32)
    right = jnp.clip(left + 1, 0, Wi - 1)
    bottom = jnp.clip(top + 1, 0, Hi - 1)
    left = jnp.clip(left, 0, Wi - 1)
    top = jnp.clip(top, 0, Hi - 1)
    wx = 1.0 - (pos_x - left.astype(jnp.float32))
    wy = 1.0 - (pos_y - top.astype(jnp.float32))
    inp_flat = inp.reshape(B, C, Hi * Wi)

    def gather(yy, xx):
        idx = (yy * Wi + xx).reshape(B, 1, K * Ho * Wo)
        g = jnp.take_along_axis(inp_flat, jnp.broadcast_to(idx, (B, C, K * Ho * Wo)), axis=2)
        return g.reshape(B, C, K, Ho, Wo)

    v_tl = gather(top, left)
    v_tr = gather(top, right)
    v_bl = gather(bottom, left)
    v_br = gather(bottom, right)
    wx_ = wx[:, None]
    wy_ = wy[:, None]
    val = (v_tl * wx_ * wy_ + v_tr * (1.0 - wx_) * wy_
           + v_bl * wx_ * (1.0 - wy_) + v_br * (1.0 - wx_) * (1.0 - wy_))
    weight = vertical[:, k // F] * horizontal[:, k % F] * mask  # [B, K, Ho, Wo]
    out = jnp.sum(val * weight[:, None], axis=2)  # [B, C, Ho, Wo]
    return out


def reference(tensorInput, tensorVertical, tensorHorizontal, tensorOffsetX, tensorOffsetY, tensorMask):
    return _dsepconv(tensorInput, tensorVertical, tensorHorizontal, tensorOffsetX, tensorOffsetY, tensorMask)

if __name__ == "__main__":
    import jax
    _d = setup_inputs()
    print(jax.jit(kernel)(*tuple(_d.values())))

</pallas_src>

<mosaic_0001>
#map = affine_map<(d0, d1) -> (0, 0)>
module attributes {stable_mosaic.version = 14 : i64} {
  func.func @_dsep_body(%arg0: i32, %arg1: i32, %arg2: memref<85x2304xf32, #tpu.memory_space<hbm>>, %arg3: memref<1x8112xf32, #tpu.memory_space<hbm>>, %arg4: memref<3x2304xf32, #tpu.memory_space<hbm>>, %arg5: memref<85x80xf32, #tpu.memory_space<vmem>>, %arg6: memref<8112xf32, #tpu.memory_space<vmem>>, %arg7: memref<240xf32, #tpu.memory_space<vmem>>, %arg8: memref<!tpu.dma_semaphore, #tpu.memory_space<semaphore_mem>>) attributes {dimension_semantics = [#tpu.dimension_semantics<core_parallel>, #tpu.dimension_semantics<subcore_parallel>], iteration_bounds = array<i64: 2, 16>, scalar_prefetch = 0 : i64, scratch_operands = 4 : i64, tpu.core_type = #tpu.core_type<sc_vector_subcore>, window_params = [{transform_indices = #map}, {transform_indices = #map}, {transform_indices = #map}]} {
    %mul3A = arith.constant 2 : i32
    %mul3A_0 = arith.muli %arg1, %mul3A : i32
    %add3A = arith.addi %mul3A_0, %arg0 : i32
    %mul3A_1 = arith.constant 72 : i32
    %mul3A_2 = arith.muli %add3A, %mul3A_1 : i32
    %dma_start3A = arith.constant 0 : i32
    %dma_start3A_3 = arith.constant 0 : i32
    %dma_start3A_4 = tpu.memref_slice %arg5[%dma_start3A, %dma_start3A_3] : memref<85x80xf32, #tpu.memory_space<vmem>> -> memref<85x72xf32, #tpu.memory_space<vmem>>
    %dma_start3A_5 = arith.constant 0 : i32
    %dma_start3A_6 = tpu.memref_slice %arg2[%dma_start3A_5, %mul3A_2] : memref<85x2304xf32, #tpu.memory_space<hbm>> -> memref<85x72xf32, #tpu.memory_space<hbm>>
    %dma_start3A_7 = arith.constant 0 : i32
    %dma_start3A_8 = arith.constant 0 : i32
    %dma_start3A_9 = tpu.memref_slice %arg5[%dma_start3A_7, %dma_start3A_8] : memref<85x80xf32, #tpu.memory_space<vmem>> -> memref<85x72xf32, #tpu.memory_space<vmem>>
    %dma_start3A_10 = arith.constant 0 : i32
    %dma_start3A_11 = tpu.memref_slice %arg2[%dma_start3A_10, %mul3A_2] : memref<85x2304xf32, #tpu.memory_space<hbm>> -> memref<85x72xf32, #tpu.memory_space<hbm>>
    tpu.enqueue_dma source(%dma_start3A_11 : memref<85x72xf32, #tpu.memory_space<hbm>>) target(%dma_start3A_9 : memref<85x72xf32, #tpu.memory_space<vmem>>) target_semaphore(%arg8 : memref<!tpu.dma_semaphore, #tpu.memory_space<semaphore_mem>>)
    %dma_start3A_12 = arith.constant 0 : i32
    %dma_start3A_13 = arith.constant 0 : i32
    %dma_start3A_14 = tpu.memref_slice %arg3[%dma_start3A_12, %dma_start3A_13] : memref<1x8112xf32, #tpu.memory_space<hbm>> -> memref<1x8112xf32, #tpu.memory_space<hbm>>
    %dma_start3A_15 = tpu.memref_squeeze %dma_start3A_14 : memref<1x8112xf32, #tpu.memory_space<hbm>> -> memref<8112xf32, #tpu.memory_space<hbm>>
    %dma_start3A_16 = arith.constant 0 : i32
    %dma_start3A_17 = tpu.memref_slice %arg3[%dma_start3A_12, %dma_start3A_16] : memref<1x8112xf32, #tpu.memory_space<hbm>> -> memref<1x8112xf32, #tpu.memory_space<hbm>>
    %dma_start3A_18 = tpu.memref_squeeze %dma_start3A_17 : memref<1x8112xf32, #tpu.memory_space<hbm>> -> memref<8112xf32, #tpu.memory_space<hbm>>
    tpu.enqueue_dma source(%dma_start3A_18 : memref<8112xf32, #tpu.memory_space<hbm>>) target(%arg6 : memref<8112xf32, #tpu.memory_space<vmem>>) target_semaphore(%arg8 : memref<!tpu.dma_semaphore, #tpu.memory_space<semaphore_mem>>)
    %dma_wait3A = arith.constant 0 : i32
    %dma_wait3A_19 = arith.constant 0 : i32
    %dma_wait3A_20 = tpu.memref_slice %arg5[%dma_wait3A, %dma_wait3A_19] : memref<85x80xf32, #tpu.memory_space<vmem>> -> memref<85x72xf32, #tpu.memory_space<vmem>>
    %dma_wait3A_21 = arith.constant 0 : i32
    %dma_wait3A_22 = tpu.memref_slice %arg2[%dma_wait3A_21, %mul3A_2] : memref<85x2304xf32, #tpu.memory_space<hbm>> -> memref<85x72xf32, #tpu.memory_space<hbm>>
    %dma_wait3A_23 = arith.constant 0 : i32
    %dma_wait3A_24 = arith.constant 0 : i32
    %dma_wait3A_25 = tpu.memref_slice %arg5[%dma_wait3A_23, %dma_wait3A_24] : memref<85x80xf32, #tpu.memory_space<vmem>> -> memref<85x72xf32, #tpu.memory_space<vmem>>
    %dma_wait3A_26 = arith.constant 0 : i32
    %dma_wait3A_27 = tpu.memref_slice %arg2[%dma_wait3A_26, %mul3A_2] : memref<85x2304xf32, #tpu.memory_space<hbm>> -> memref<85x72xf32, #tpu.memory_space<hbm>>
    tpu.wait_dma2 semaphore(%arg8 : memref<!tpu.dma_semaphore, #tpu.memory_space<semaphore_mem>>) src(%dma_wait3A_27 : memref<85x72xf32, #tpu.memory_space<hbm>>) dst(%dma_wait3A_25 : memref<85x72xf32, #tpu.memory_space<vmem>>)
    %dma_wait3A_28 = arith.constant 0 : i32
    %dma_wait3A_29 = arith.constant 0 : i32
    %dma_wait3A_30 = tpu.memref_slice %arg3[%dma_wait3A_28, %dma_wait3A_29] : memref<1x8112xf32, #tpu.memory_space<hbm>> -> memref<1x8112xf32, #tpu.memory_space<hbm>>
    %dma_wait3A_31 = tpu.memref_squeeze %dma_wait3A_30 : memref<1x8112xf32, #tpu.memory_space<hbm>> -> memref<8112xf32, #tpu.memory_space<hbm>>
    %dma_wait3A_32 = arith.constant 0 : i32
    %dma_wait3A_33 = tpu.memref_slice %arg3[%dma_wait3A_28, %dma_wait3A_32] : memref<1x8112xf32, #tpu.memory_space<hbm>> -> memref<1x8112xf32, #tpu.memory_space<hbm>>
    %dma_wait3A_34 = tpu.memref_squeeze %dma_wait3A_33 : memref<1x8112xf32, #tpu.memory_space<hbm>> -> memref<8112xf32, #tpu.memory_space<hbm>>
    tpu.wait_dma2 semaphore(%arg8 : memref<!tpu.dma_semaphore, #tpu.memory_space<semaphore_mem>>) src(%dma_wait3A_34 : memref<8112xf32, #tpu.memory_space<hbm>>) dst(%arg6 : memref<8112xf32, #tpu.memory_space<vmem>>)
    %iota3A = tpu.iota {dimensions = array<i32: 0>} : vector<16xi32>
    %broadcast_in_dim3A = arith.constant 0.000000e+00 : f32
    %broadcast_in_dim3A_35 = vector.broadcast %broadcast_in_dim3A : f32 to vector<16xf32>
    %broadcast_in_dim3A_36 = arith.constant 0 : i32
    %broadcast_in_dim3A_37 = vector.broadcast %broadcast_in_dim3A_36 : i32 to vector<16xi32>
    %scan3A = arith.constant 0 : i32
    %scan3A_38 = arith.constant 0 : i32
    %scan3A_39 = arith.constant 5 : i32
    %scan3A_40 = arith.addi %scan3A_38, %scan3A_39 : i32
    %scan3A_41 = arith.constant 1 : i32
    %scan3A_42 = scf.for %scan3A_46 = %scan3A_38 to %scan3A_40 step %scan3A_41 iter_args(%scan3A_47 = %scan3A) -> (i32)  : i32 {
      %mul3A_48 = arith.constant 16 : i32
      %mul3A_49 = arith.muli %scan3A_46, %mul3A_48 : i32
      %add3A_50 = vector.broadcast %mul3A_49 : i32 to vector<16xi32>
      %add3A_51 = arith.addi %iota3A, %add3A_50 : vector<16xi32>
      %min3A = arith.constant 71 : i32
      %min3A_52 = vector.broadcast %min3A : i32 to vector<16xi32>
      %min3A_53 = arith.minsi %add3A_51, %min3A_52 : vector<16xi32>
      %add3A_54 = vector.broadcast %mul3A_2 : i32 to vector<16xi32>
      %add3A_55 = arith.addi %min3A_53, %add3A_54 : vector<16xi32>
      %div3A = arith.constant 48 : i32
      %div3A_56 = vector.broadcast %div3A : i32 to vector<16xi32>
      %div3A_57 = arith.divsi %add3A_55, %div3A_56 : vector<16xi32>
      %mul3A_58 = arith.constant 48 : i32
      %mul3A_59 = vector.broadcast %mul3A_58 : i32 to vector<16xi32>
      %mul3A_60 = arith.muli %div3A_57, %mul3A_59 : vector<16xi32>
      %sub3A = arith.subi %add3A_55, %mul3A_60 : vector<16xi32>
      %convert_element_type3A = arith.sitofp %div3A_57 : vector<16xi32> to vector<16xf32>
      %convert_element_type3A_61 = arith.sitofp %sub3A : vector<16xi32> to vector<16xf32>
      %scan3A_62 = arith.constant 0 : i32
      %scan3A_63 = arith.constant 25 : i32
      %scan3A_64 = arith.addi %scan3A_62, %scan3A_63 : i32
      %scan3A_65 = arith.constant 1 : i32
      %scan3A_66:3 = scf.for %scan3A_86 = %scan3A_62 to %scan3A_64 step %scan3A_65 iter_args(%scan3A_87 = %broadcast_in_dim3A_35, %scan3A_88 = %broadcast_in_dim3A_35, %scan3A_89 = %broadcast_in_dim3A_35) -> (vector<16xf32>, vector<16xf32>, vector<16xf32>)  : i32 {
        %div3A_90 = arith.constant 5 : i32
        %div3A_91 = arith.divsi %scan3A_86, %div3A_90 : i32
        %mul3A_92 = arith.constant 5 : i32
        %mul3A_93 = arith.muli %div3A_91, %mul3A_92 : i32
        %sub3A_94 = arith.subi %scan3A_86, %mul3A_93 : i32
        %add3A_95 = vector.broadcast %scan3A_86 : i32 to vector<16xi32>
        %add3A_96 = arith.addi %broadcast_in_dim3A_37, %add3A_95 : vector<16xi32>
        %add3A_97 = vector.broadcast %div3A_91 : i32 to vector<16xi32>
        %add3A_98 = arith.addi %broadcast_in_dim3A_37, %add3A_97 : vector<16xi32>
        %add3A_99 = arith.constant 0 : i32
        %add3A_100 = vector.broadcast %add3A_99 : i32 to vector<16xi32>
        %add3A_101 = arith.addi %add3A_96, %add3A_100 : vector<16xi32>
        %gather3A = tpu.vector_load_idx %arg5[%add3A_101, %min3A_53] : memref<85x80xf32, #tpu.memory_space<vmem>>[vector<16xi32>, vector<16xi32>], vector<16xf32>,
        %add3A_102 = arith.constant 25 : i32
        %add3A_103 = vector.broadcast %add3A_102 : i32 to vector<16xi32>
        %add3A_104 = arith.addi %add3A_96, %add3A_103 : vector<16xi32>
        %gather3A_105 = tpu.vector_load_idx %arg5[%add3A_104, %min3A_53] : memref<85x80xf32, #tpu.memory_space<vmem>>[vector<16xi32>, vector<16xi32>], vector<16xf32>,
        %add3A_106 = arith.constant 50 : i32
        %add3A_107 = vector.broadcast %add3A_106 : i32 to vector<16xi32>
        %add3A_108 = arith.addi %add3A_96, %add3A_107 : vector<16xi32>
        %gather3A_109 = tpu.vector_load_idx %arg5[%add3A_108, %min3A_53] : memref<85x80xf32, #tpu.memory_space<vmem>>[vector<16xi32>, vector<16xi32>], vector<16xf32>,
        %add3A_110 = arith.constant 75 : i32
        %add3A_111 = vector.broadcast %add3A_110 : i32 to vector<16xi32>
        %add3A_112 = arith.addi %add3A_98, %add3A_111 : vector<16xi32>
        %gather3A_113 = tpu.vector_load_idx %arg5[%add3A_112, %min3A_53] : memref<85x80xf32, #tpu.memory_space<vmem>>[vector<16xi32>, vector<16xi32>], vector<16xf32>,
        %mul3A_114 = arith.constant 5 : i32
        %mul3A_115 = vector.broadcast %mul3A_114 : i32 to vector<16xi32>
        %mul3A_116 = arith.muli %add3A_98, %mul3A_115 : vector<16xi32>
        %sub3A_117 = arith.subi %add3A_96, %mul3A_116 : vector<16xi32>
        %add3A_118 = arith.constant 80 : i32
        %add3A_119 = vector.broadcast %add3A_118 : i32 to vector<16xi32>
        %add3A_120 = arith.addi %sub3A_117, %add3A_119 : vector<16xi32>
        %gather3A_121 = tpu.vector_load_idx %arg5[%add3A_120, %min3A_53] : memref<85x80xf32, #tpu.memory_space<vmem>>[vector<16xi32>, vector<16xi32>], vector<16xf32>,
        %convert_element_type3A_122 = arith.sitofp %sub3A_94 : i32 to f32
        %sub3A_123 = arith.constant 1.000000e+00 : f32
        %sub3A_124 = arith.subf %convert_element_type3A_122, %sub3A_123 : f32
        %add3A_125 = vector.broadcast %sub3A_124 : f32 to vector<16xf32>
        %add3A_126 = arith.addf %convert_element_type3A_61, %add3A_125 : vector<16xf32>
        %add3A_127 = arith.addf %gather3A_105, %add3A_126 : vector<16xf32>
        %convert_element_type3A_128 = arith.sitofp %div3A_91 : i32 to f32
        %sub3A_129 = arith.constant 1.000000e+00 : f32
        %sub3A_130 = arith.subf %convert_element_type3A_128, %sub3A_129 : f32
        %add3A_131 = vector.broadcast %sub3A_130 : f32 to vector<16xf32>
        %add3A_132 = arith.addf %convert_element_type3A, %add3A_131 : vector<16xf32>
        %add3A_133 = arith.addf %gather3A, %add3A_132 : vector<16xf32>
        %max3A = arith.constant 0.000000e+00 : f32
        %max3A_134 = vector.broadcast %max3A : f32 to vector<16xf32>
        %max3A_135 = arith.maximumf %add3A_127, %max3A_134 : vector<16xf32>
        %min3A_136 = arith.constant 5.100000e+01 : f32
        %min3A_137 = vector.broadcast %min3A_136 : f32 to vector<16xf32>
        %min3A_138 = arith.minimumf %max3A_135, %min3A_137 : vector<16xf32>
        %max3A_139 = arith.constant 0.000000e+00 : f32
        %max3A_140 = vector.broadcast %max3A_139 : f32 to vector<16xf32>
        %max3A_141 = arith.maximumf %add3A_133, %max3A_140 : vector<16xf32>
        %min3A_142 = arith.constant 5.100000e+01 : f32
        %min3A_143 = vector.broadcast %min3A_142 : f32 to vector<16xf32>
        %min3A_144 = arith.minimumf %max3A_141, %min3A_143 : vector<16xf32>
        %convert_element_type3A_145 = arith.fptosi %min3A_138 : vector<16xf32> to vector<16xi32>
        %convert_element_type3A_146 = arith.fptosi %min3A_144 : vector<16xf32> to vector<16xi32>
        %convert_element_type3A_147 = arith.sitofp %convert_element_type3A_145 : vector<16xi32> to vector<16xf32>
        %sub3A_148 = arith.subf %min3A_138, %convert_element_type3A_147 : vector<16xf32>
        %convert_element_type3A_149 = arith.sitofp %convert_element_type3A_146 : vector<16xi32> to vector<16xf32>
        %sub3A_150 = arith.subf %min3A_144, %convert_element_type3A_149 : vector<16xf32>
        %mul3A_151 = arith.constant 52 : i32
        %mul3A_152 = vector.broadcast %mul3A_151 : i32 to vector<16xi32>
        %mul3A_153 = arith.muli %convert_element_type3A_146, %mul3A_152 : vector<16xi32>
        %add3A_154 = arith.constant 52 : i32
        %add3A_155 = vector.broadcast %add3A_154 : i32 to vector<16xi32>
        %add3A_156 = arith.addi %mul3A_153, %add3A_155 : vector<16xi32>
        %min3A_157 = arith.constant 2652 : i32
        %min3A_158 = vector.broadcast %min3A_157 : i32 to vector<16xi32>
        %min3A_159 = arith.minsi %add3A_156, %min3A_158 : vector<16xi32>
        %add3A_160 = arith.addi %mul3A_153, %convert_element_type3A_145 : vector<16xi32>
        %add3A_161 = arith.constant 1 : i32
        %add3A_162 = vector.broadcast %add3A_161 : i32 to vector<16xi32>
        %add3A_163 = arith.addi %add3A_160, %add3A_162 : vector<16xi32>
        %add3A_164 = arith.constant 51 : i32
        %add3A_165 = vector.broadcast %add3A_164 : i32 to vector<16xi32>
        %add3A_166 = arith.addi %mul3A_153, %add3A_165 : vector<16xi32>
        %min3A_167 = arith.minsi %add3A_163, %add3A_166 : vector<16xi32>
        %sub3A_168 = arith.subi %min3A_167, %add3A_160 : vector<16xi32>
        %add3A_169 = arith.addi %min3A_159, %convert_element_type3A_145 : vector<16xi32>
        %add3A_170 = arith.addi %add3A_169, %sub3A_168 : vector<16xi32>
        %mul3A_171 = arith.mulf %gather3A_113, %gather3A_121 : vector<16xf32>
        %mul3A_172 = arith.mulf %mul3A_171, %gather3A_109 : vector<16xf32>
        %add3A_173 = arith.constant 0 : i32
        %add3A_174 = vector.broadcast %add3A_173 : i32 to vector<16xi32>
        %add3A_175 = arith.addi %add3A_160, %add3A_174 : vector<16xi32>
        %gather3A_176 = tpu.vector_load_idx %arg6[%add3A_175] : memref<8112xf32, #tpu.memory_space<vmem>>[vector<16xi32>], vector<16xf32>,
        %add3A_177 = arith.constant 0 : i32
        %add3A_178 = vector.broadcast %add3A_177 : i32 to vector<16xi32>
        %add3A_179 = arith.addi %min3A_167, %add3A_178 : vector<16xi32>
        %gather3A_180 = tpu.vector_load_idx %arg6[%add3A_179] : memref<8112xf32, #tpu.memory_space<vmem>>[vector<16xi32>], vector<16xf32>,
        %add3A_181 = arith.constant 0 : i32
        %add3A_182 = vector.broadcast %add3A_181 : i32 to vector<16xi32>
        %add3A_183 = arith.addi %add3A_169, %add3A_182 : vector<16xi32>
        %gather3A_184 = tpu.vector_load_idx %arg6[%add3A_183] : memref<8112xf32, #tpu.memory_space<vmem>>[vector<16xi32>], vector<16xf32>,
        %add3A_185 = arith.constant 0 : i32
        %add3A_186 = vector.broadcast %add3A_185 : i32 to vector<16xi32>
        %add3A_187 = arith.addi %add3A_170, %add3A_186 : vector<16xi32>
        %gather3A_188 = tpu.vector_load_idx %arg6[%add3A_187] : memref<8112xf32, #tpu.memory_space<vmem>>[vector<16xi32>], vector<16xf32>,
        %sub3A_189 = arith.subf %gather3A_180, %gather3A_176 : vector<16xf32>
        %mul3A_190 = arith.mulf %sub3A_148, %sub3A_189 : vector<16xf32>
        %add3A_191 = arith.addf %gather3A_176, %mul3A_190 : vector<16xf32>
        %sub3A_192 = arith.subf %gather3A_188, %gather3A_184 : vector<16xf32>
        %mul3A_193 = arith.mulf %sub3A_148, %sub3A_192 : vector<16xf32>
        %add3A_194 = arith.addf %gather3A_184, %mul3A_193 : vector<16xf32>
        %sub3A_195 = arith.subf %add3A_194, %add3A_191 : vector<16xf32>
        %mul3A_196 = arith.mulf %sub3A_150, %sub3A_195 : vector<16xf32>
        %add3A_197 = arith.addf %add3A_191, %mul3A_196 : vector<16xf32>
        %mul3A_198 = arith.mulf %add3A_197, %mul3A_172 : vector<16xf32>
        %add3A_199 = arith.addf %scan3A_87, %mul3A_198 : vector<16xf32>
        %add3A_200 = arith.constant 2704 : i32
        %add3A_201 = vector.broadcast %add3A_200 : i32 to vector<16xi32>
        %add3A_202 = arith.addi %add3A_160, %add3A_201 : vector<16xi32>
        %gather3A_203 = tpu.vector_load_idx %arg6[%add3A_202] : memref<8112xf32, #tpu.memory_space<vmem>>[vector<16xi32>], vector<16xf32>,
        %add3A_204 = arith.constant 2704 : i32
        %add3A_205 = vector.broadcast %add3A_204 : i32 to vector<16xi32>
        %add3A_206 = arith.addi %min3A_167, %add3A_205 : vector<16xi32>
        %gather3A_207 = tpu.vector_load_idx %arg6[%add3A_206] : memref<8112xf32, #tpu.memory_space<vmem>>[vector<16xi32>], vector<16xf32>,
        %add3A_208 = arith.constant 2704 : i32
        %add3A_209 = vector.broadcast %add3A_208 : i32 to vector<16xi32>
        %add3A_210 = arith.addi %add3A_169, %add3A_209 : vector<16xi32>
        %gather3A_211 = tpu.vector_load_idx %arg6[%add3A_210] : memref<8112xf32, #tpu.memory_space<vmem>>[vector<16xi32>], vector<16xf32>,
        %add3A_212 = arith.constant 2704 : i32
        %add3A_213 = vector.broadcast %add3A_212 : i32 to vector<16xi32>
        %add3A_214 = arith.addi %add3A_170, %add3A_213 : vector<16xi32>
        %gather3A_215 = tpu.vector_load_idx %arg6[%add3A_214] : memref<8112xf32, #tpu.memory_space<vmem>>[vector<16xi32>], vector<16xf32>,
        %sub3A_216 = arith.subf %gather3A_207, %gather3A_203 : vector<16xf32>
        %mul3A_217 = arith.mulf %sub3A_148, %sub3A_216 : vector<16xf32>
        %add3A_218 = arith.addf %gather3A_203, %mul3A_217 : vector<16xf32>
        %sub3A_219 = arith.subf %gather3A_215, %gather3A_211 : vector<16xf32>
        %mul3A_220 = arith.mulf %sub3A_148, %sub3A_219 : vector<16xf32>
        %add3A_221 = arith.addf %gather3A_211, %mul3A_220 : vector<16xf32>
        %sub3A_222 = arith.subf %add3A_221, %add3A_218 : vector<16xf32>
        %mul3A_223 = arith.mulf %sub3A_150, %sub3A_222 : vector<16xf32>
        %add3A_224 = arith.addf %add3A_218, %mul3A_223 : vector<16xf32>
        %mul3A_225 = arith.mulf %add3A_224, %mul3A_172 : vector<16xf32>
        %add3A_226 = arith.addf %scan3A_88, %mul3A_225 : vector<16xf32>
        %add3A_227 = arith.constant 5408 : i32
        %add3A_228 = vector.broadcast %add3A_227 : i32 to vector<16xi32>
        %add3A_229 = arith.addi %add3A_160, %add3A_228 : vector<16xi32>
        %gather3A_230 = tpu.vector_load_idx %arg6[%add3A_229] : memref<8112xf32, #tpu.memory_space<vmem>>[vector<16xi32>], vector<16xf32>,
        %add3A_231 = arith.constant 5408 : i32
        %add3A_232 = vector.broadcast %add3A_231 : i32 to vector<16xi32>
        %add3A_233 = arith.addi %min3A_167, %add3A_232 : vector<16xi32>
        %gather3A_234 = tpu.vector_load_idx %arg6[%add3A_233] : memref<8112xf32, #tpu.memory_space<vmem>>[vector<16xi32>], vector<16xf32>,
        %add3A_235 = arith.constant 5408 : i32
        %add3A_236 = vector.broadcast %add3A_235 : i32 to vector<16xi32>
        %add3A_237 = arith.addi %add3A_169, %add3A_236 : vector<16xi32>
        %gather3A_238 = tpu.vector_load_idx %arg6[%add3A_237] : memref<8112xf32, #tpu.memory_space<vmem>>[vector<16xi32>], vector<16xf32>,
        %add3A_239 = arith.constant 5408 : i32
        %add3A_240 = vector.broadcast %add3A_239 : i32 to vector<16xi32>
        %add3A_241 = arith.addi %add3A_170, %add3A_240 : vector<16xi32>
        %gather3A_242 = tpu.vector_load_idx %arg6[%add3A_241] : memref<8112xf32, #tpu.memory_space<vmem>>[vector<16xi32>], vector<16xf32>,
        %sub3A_243 = arith.subf %gather3A_234, %gather3A_230 : vector<16xf32>
        %mul3A_244 = arith.mulf %sub3A_148, %sub3A_243 : vector<16xf32>
        %add3A_245 = arith.addf %gather3A_230, %mul3A_244 : vector<16xf32>
        %sub3A_246 = arith.subf %gather3A_242, %gather3A_238 : vector<16xf32>
        %mul3A_247 = arith.mulf %sub3A_148, %sub3A_246 : vector<16xf32>
        %add3A_248 = arith.addf %gather3A_238, %mul3A_247 : vector<16xf32>
        %sub3A_249 = arith.subf %add3A_248, %add3A_245 : vector<16xf32>
        %mul3A_250 = arith.mulf %sub3A_150, %sub3A_249 : vector<16xf32>
        %add3A_251 = arith.addf %add3A_245, %mul3A_250 : vector<16xf32>
        %mul3A_252 = arith.mulf %add3A_251, %mul3A_172 : vector<16xf32>
        %add3A_253 = arith.addf %scan3A_89, %mul3A_252 : vector<16xf32>
        scf.yield %add3A_199, %add3A_226, %add3A_253 : vector<16xf32>, vector<16xf32>, vector<16xf32>
      }
      %scan3A_67 = arith.constant 25 : i32
      %mul3A_68 = arith.constant 16 : i32
      %mul3A_69 = arith.muli %scan3A_46, %mul3A_68 : i32
      %add3A_70 = arith.constant 0 : i32
      %add3A_71 = arith.addi %add3A_70, %mul3A_69 : i32
      %swap3A = arith.index_cast %add3A_71 : i32 to index
      %swap3A_72 = tpu.vector_load %arg7[%swap3A] {strides = array<i32>} : memref<240xf32, #tpu.memory_space<vmem>>, vector<16xf32>,
      tpu.vector_store %arg7[%swap3A], %scan3A_66#0 {strides = array<i32>} : memref<240xf32, #tpu.memory_space<vmem>>, vector<16xf32>,
      %mul3A_73 = arith.constant 16 : i32
      %mul3A_74 = arith.muli %scan3A_46, %mul3A_73 : i32
      %add3A_75 = arith.constant 80 : i32
      %add3A_76 = arith.addi %add3A_75, %mul3A_74 : i32
      %swap3A_77 = arith.index_cast %add3A_76 : i32 to index
      %swap3A_78 = tpu.vector_load %arg7[%swap3A_77] {strides = array<i32>} : memref<240xf32, #tpu.memory_space<vmem>>, vector<16xf32>,
      tpu.vector_store %arg7[%swap3A_77], %scan3A_66#1 {strides = array<i32>} : memref<240xf32, #tpu.memory_space<vmem>>, vector<16xf32>,
      %mul3A_79 = arith.constant 16 : i32
      %mul3A_80 = arith.muli %scan3A_46, %mul3A_79 : i32
      %add3A_81 = arith.constant 160 : i32
      %add3A_82 = arith.addi %add3A_81, %mul3A_80 : i32
      %swap3A_83 = arith.index_cast %add3A_82 : i32 to index
      %swap3A_84 = tpu.vector_load %arg7[%swap3A_83] {strides = array<i32>} : memref<240xf32, #tpu.memory_space<vmem>>, vector<16xf32>,
      tpu.vector_store %arg7[%swap3A_83], %scan3A_66#2 {strides = array<i32>} : memref<240xf32, #tpu.memory_space<vmem>>, vector<16xf32>,
      %scan3A_85 = arith.constant 0 : i32
      scf.yield %scan3A_85 : i32
    }
    %scan3A_43 = arith.constant 5 : i32
    %run_scoped3A = arith.constant 0 : i32
    "tpu.region"() ({
      %run_scoped3A_46 = tpu.sem_alloc : memref<!tpu.dma_semaphore, #tpu.memory_space<semaphore_mem>>
      %dma_start3A_47 = arith.constant 0 : i32
      %dma_start3A_48 = tpu.memref_slice %arg7[%dma_start3A_47] : memref<240xf32, #tpu.memory_space<vmem>> -> memref<72xf32, #tpu.memory_space<vmem>>
      %dma_start3A_49 = tpu.memref_slice %arg4[%run_scoped3A, %mul3A_2] : memref<3x2304xf32, #tpu.memory_space<hbm>> -> memref<1x72xf32, #tpu.memory_space<hbm>>
      %dma_start3A_50 = tpu.memref_squeeze %dma_start3A_49 : memref<1x72xf32, #tpu.memory_space<hbm>> -> memref<72xf32, #tpu.memory_space<hbm>>
      %dma_start3A_51 = tpu.memref_slice %arg4[%run_scoped3A, %mul3A_2] : memref<3x2304xf32, #tpu.memory_space<hbm>> -> memref<1x72xf32, #tpu.memory_space<hbm>>
      %dma_start3A_52 = tpu.memref_squeeze %dma_start3A_51 : memref<1x72xf32, #tpu.memory_space<hbm>> -> memref<72xf32, #tpu.memory_space<hbm>>
      %dma_start3A_53 = arith.constant 0 : i32
      %dma_start3A_54 = tpu.memref_slice %arg7[%dma_start3A_53] : memref<240xf32, #tpu.memory_space<vmem>> -> memref<72xf32, #tpu.memory_space<vmem>>
      tpu.enqueue_dma source(%dma_start3A_54 : memref<72xf32, #tpu.memory_space<vmem>>) target(%dma_start3A_52 : memref<72xf32, #tpu.memory_space<hbm>>) target_semaphore(%run_scoped3A_46 : memref<!tpu.dma_semaphore, #tpu.memory_space<semaphore_mem>>)
      %dma_wait3A_55 = arith.constant 0 : i32
      %dma_wait3A_56 = tpu.memref_slice %arg7[%dma_wait3A_55] : memref<240xf32, #tpu.memory_space<vmem>> -> memref<72xf32, #tpu.memory_space<vmem>>
      %dma_wait3A_57 = tpu.memref_slice %arg4[%run_scoped3A, %mul3A_2] : memref<3x2304xf32, #tpu.memory_space<hbm>> -> memref<1x72xf32, #tpu.memory_space<hbm>>
      %dma_wait3A_58 = tpu.memref_squeeze %dma_wait3A_57 : memref<1x72xf32, #tpu.memory_space<hbm>> -> memref<72xf32, #tpu.memory_space<hbm>>
      %dma_wait3A_59 = tpu.memref_slice %arg4[%run_scoped3A, %mul3A_2] : memref<3x2304xf32, #tpu.memory_space<hbm>> -> memref<1x72xf32, #tpu.memory_space<hbm>>
      %dma_wait3A_60 = tpu.memref_squeeze %dma_wait3A_59 : memref<1x72xf32, #tpu.memory_space<hbm>> -> memref<72xf32, #tpu.memory_space<hbm>>
      %dma_wait3A_61 = arith.constant 0 : i32
      %dma_wait3A_62 = tpu.memref_slice %arg7[%dma_wait3A_61] : memref<240xf32, #tpu.memory_space<vmem>> -> memref<72xf32, #tpu.memory_space<vmem>>
      tpu.wait_dma2 semaphore(%run_scoped3A_46 : memref<!tpu.dma_semaphore, #tpu.memory_space<semaphore_mem>>) src(%dma_wait3A_62 : memref<72xf32, #tpu.memory_space<vmem>>) dst(%dma_wait3A_60 : memref<72xf32, #tpu.memory_space<hbm>>)
      tpu.yield
    }) : () -> ()
    %run_scoped3A_44 = arith.constant 1 : i32
    "tpu.region"() ({
      %run_scoped3A_46 = tpu.sem_alloc : memref<!tpu.dma_semaphore, #tpu.memory_space<semaphore_mem>>
      %dma_start3A_47 = arith.constant 80 : i32
      %dma_start3A_48 = tpu.memref_slice %arg7[%dma_start3A_47] : memref<240xf32, #tpu.memory_space<vmem>> -> memref<72xf32, #tpu.memory_space<vmem>>
      %dma_start3A_49 = tpu.memref_slice %arg4[%run_scoped3A_44, %mul3A_2] : memref<3x2304xf32, #tpu.memory_space<hbm>> -> memref<1x72xf32, #tpu.memory_space<hbm>>
      %dma_start3A_50 = tpu.memref_squeeze %dma_start3A_49 : memref<1x72xf32, #tpu.memory_space<hbm>> -> memref<72xf32, #tpu.memory_space<hbm>>
      %dma_start3A_51 = tpu.memref_slice %arg4[%run_scoped3A_44, %mul3A_2] : memref<3x2304xf32, #tpu.memory_space<hbm>> -> memref<1x72xf32, #tpu.memory_space<hbm>>
      %dma_start3A_52 = tpu.memref_squeeze %dma_start3A_51 : memref<1x72xf32, #tpu.memory_space<hbm>> -> memref<72xf32, #tpu.memory_space<hbm>>
      %dma_start3A_53 = arith.constant 80 : i32
      %dma_start3A_54 = tpu.memref_slice %arg7[%dma_start3A_53] : memref<240xf32, #tpu.memory_space<vmem>> -> memref<72xf32, #tpu.memory_space<vmem>>
      tpu.enqueue_dma source(%dma_start3A_54 : memref<72xf32, #tpu.memory_space<vmem>>) target(%dma_start3A_52 : memref<72xf32, #tpu.memory_space<hbm>>) target_semaphore(%run_scoped3A_46 : memref<!tpu.dma_semaphore, #tpu.memory_space<semaphore_mem>>)
      %dma_wait3A_55 = arith.constant 80 : i32
      %dma_wait3A_56 = tpu.memref_slice %arg7[%dma_wait3A_55] : memref<240xf32, #tpu.memory_space<vmem>> -> memref<72xf32, #tpu.memory_space<vmem>>
      %dma_wait3A_57 = tpu.memref_slice %arg4[%run_scoped3A_44, %mul3A_2] : memref<3x2304xf32, #tpu.memory_space<hbm>> -> memref<1x72xf32, #tpu.memory_space<hbm>>
      %dma_wait3A_58 = tpu.memref_squeeze %dma_wait3A_57 : memref<1x72xf32, #tpu.memory_space<hbm>> -> memref<72xf32, #tpu.memory_space<hbm>>
      %dma_wait3A_59 = tpu.memref_slice %arg4[%run_scoped3A_44, %mul3A_2] : memref<3x2304xf32, #tpu.memory_space<hbm>> -> memref<1x72xf32, #tpu.memory_space<hbm>>
      %dma_wait3A_60 = tpu.memref_squeeze %dma_wait3A_59 : memref<1x72xf32, #tpu.memory_space<hbm>> -> memref<72xf32, #tpu.memory_space<hbm>>
      %dma_wait3A_61 = arith.constant 80 : i32
      %dma_wait3A_62 = tpu.memref_slice %arg7[%dma_wait3A_61] : memref<240xf32, #tpu.memory_space<vmem>> -> memref<72xf32, #tpu.memory_space<vmem>>
      tpu.wait_dma2 semaphore(%run_scoped3A_46 : memref<!tpu.dma_semaphore, #tpu.memory_space<semaphore_mem>>) src(%dma_wait3A_62 : memref<72xf32, #tpu.memory_space<vmem>>) dst(%dma_wait3A_60 : memref<72xf32, #tpu.memory_space<hbm>>)
      tpu.yield
    }) : () -> ()
    %run_scoped3A_45 = arith.constant 2 : i32
    "tpu.region"() ({
      %run_scoped3A_46 = tpu.sem_alloc : memref<!tpu.dma_semaphore, #tpu.memory_space<semaphore_mem>>
      %dma_start3A_47 = arith.constant 160 : i32
      %dma_start3A_48 = tpu.memref_slice %arg7[%dma_start3A_47] : memref<240xf32, #tpu.memory_space<vmem>> -> memref<72xf32, #tpu.memory_space<vmem>>
      %dma_start3A_49 = tpu.memref_slice %arg4[%run_scoped3A_45, %mul3A_2] : memref<3x2304xf32, #tpu.memory_space<hbm>> -> memref<1x72xf32, #tpu.memory_space<hbm>>
      %dma_start3A_50 = tpu.memref_squeeze %dma_start3A_49 : memref<1x72xf32, #tpu.memory_space<hbm>> -> memref<72xf32, #tpu.memory_space<hbm>>
      %dma_start3A_51 = tpu.memref_slice %arg4[%run_scoped3A_45, %mul3A_2] : memref<3x2304xf32, #tpu.memory_space<hbm>> -> memref<1x72xf32, #tpu.memory_space<hbm>>
      %dma_start3A_52 = tpu.memref_squeeze %dma_start3A_51 : memref<1x72xf32, #tpu.memory_space<hbm>> -> memref<72xf32, #tpu.memory_space<hbm>>
      %dma_start3A_53 = arith.constant 160 : i32
      %dma_start3A_54 = tpu.memref_slice %arg7[%dma_start3A_53] : memref<240xf32, #tpu.memory_space<vmem>> -> memref<72xf32, #tpu.memory_space<vmem>>
      tpu.enqueue_dma source(%dma_start3A_54 : memref<72xf32, #tpu.memory_space<vmem>>) target(%dma_start3A_52 : memref<72xf32, #tpu.memory_space<hbm>>) target_semaphore(%run_scoped3A_46 : memref<!tpu.dma_semaphore, #tpu.memory_space<semaphore_mem>>)
      %dma_wait3A_55 = arith.constant 160 : i32
      %dma_wait3A_56 = tpu.memref_slice %arg7[%dma_wait3A_55] : memref<240xf32, #tpu.memory_space<vmem>> -> memref<72xf32, #tpu.memory_space<vmem>>
      %dma_wait3A_57 = tpu.memref_slice %arg4[%run_scoped3A_45, %mul3A_2] : memref<3x2304xf32, #tpu.memory_space<hbm>> -> memref<1x72xf32, #tpu.memory_space<hbm>>
      %dma_wait3A_58 = tpu.memref_squeeze %dma_wait3A_57 : memref<1x72xf32, #tpu.memory_space<hbm>> -> memref<72xf32, #tpu.memory_space<hbm>>
      %dma_wait3A_59 = tpu.memref_slice %arg4[%run_scoped3A_45, %mul3A_2] : memref<3x2304xf32, #tpu.memory_space<hbm>> -> memref<1x72xf32, #tpu.memory_space<hbm>>
      %dma_wait3A_60 = tpu.memref_squeeze %dma_wait3A_59 : memref<1x72xf32, #tpu.memory_space<hbm>> -> memref<72xf32, #tpu.memory_space<hbm>>
      %dma_wait3A_61 = arith.constant 160 : i32
      %dma_wait3A_62 = tpu.memref_slice %arg7[%dma_wait3A_61] : memref<240xf32, #tpu.memory_space<vmem>> -> memref<72xf32, #tpu.memory_space<vmem>>
      tpu.wait_dma2 semaphore(%run_scoped3A_46 : memref<!tpu.dma_semaphore, #tpu.memory_space<semaphore_mem>>) src(%dma_wait3A_62 : memref<72xf32, #tpu.memory_space<vmem>>) dst(%dma_wait3A_60 : memref<72xf32, #tpu.memory_space<hbm>>)
      tpu.yield
    }) : () -> ()
    return
  }
}

</mosaic_0001>

<sc_bundles>
// kernel: _dsepconv_sc.3.cloned.1.call-start
scs
__scs_entry_jumppad:
0x0: {  	(pc) =	sbr.rel $0x88, $3  }
0x1: {  	(tag) =	ssettag $0x0;
	lr =	simm.s32 $0x1  }
0x2: {  	[smem:$0x3F9F] =	sst lr;
	_ =	strace $0xD0000000  }
0x3: {  	_ = 	snop  }
0x4: {  	_ = 	snop  }
0x5: {  	_ = 	snop  }
0x6: {  	_ = 	snop  }
0x7: {  	_ = 	snop  }
__scs_overlays_trampoline_lowered:
0x8: {  	[smem:$0x3FAE] =	sst s0  }
0x9: {  	[smem:$0x3FAF] =	sst s1  }
0xa: {  	[smem:$0x3FB0] =	sst s2  }
0xb: {  	[smem:$0x3FB1] =	sst s3  }
0xc: {  	[smem:$0x3FB2] =	sst s4  }
0xd: {  	[smem:$0x3FB3] =	sst s5  }
0xe: {  	[smem:$0x3FB4] =	sst s6  }
0xf: {  	[smem:$0x3FB5] =	sst s7  }
0x10: {  	[smem:$0x3FB6] =	sst s8  }
0x11: {  	[smem:$0x3FB7] =	sst s9;
	s0 =	simm.s32 @!p0 $0x0  }
0x12: {  	s1 =	sld [smem:$0x3F9D];
	s0 =	simm.s32 @p0 $0x1  }
0x13: {  	[smem:$0x3FB8] =	sst s0;
	s0 =	simm.s32 @!p1 $0x0  }
0x14: {  	s2 =	sld [smem:$0x3F9C];
	s0 =	simm.s32 @p1 $0x1  }
0x15: {  	[smem:$0x3FB9] =	sst s0;
	s0 =	simm.s32 @!p2 $0x0  }
0x16: {  	s3 =	sld [smem:$0x3FDB];
	s0 =	simm.s32 @p2 $0x1  }
0x17: {  	s4 =	simm.s32 $0x1BF5;
	[smem:$0x3FBB] =	sst s0  }
0x18: {  	s0 =	sld [smem:$0x3F9E];
	_ =	swait.ge [sflag:s4], $0x0  }
0x19: {  	s7 =	sld [smem:$0x3F9F]  }
0x1a: {  	s8 =	sadd.s32 $0xFFFFE003, lr  }
0x1b: {  	s9 =	sadd.s32 $0xFFFFFEF7, lr;
	s5 =	simm.s32 $0xFFFFFFFF;
	p2 =	slt.u32 s8, $0xFFFFF086  }
0x1c: {  	p1 =	slt.u32 s9, $0xF7A;
	s5 =	simm.s32 @!p2 $0x0  }
0x1d: {  	s5 =	simm.s32 @p1 $0x1;
	p0 =	seq.s32 s7, s2  }
0x1e: {  	s7 =	smul.u32 @!p0 $0xF7A, s2;
	p2 =	seq.s32 @!p0 s5, $0x0  }
0x1f: {  	s9 =	smul.u32 $0xF7A, s1;
	s8 =	simm.s32 @!p0 $0x1BF5;
	p2 =	por !p2, p0  }
0x20: {  	[sflag:s8] =	ssyncset.s32 @!p0 $0xFFFFF086;
	s6 =	sadd.s32 @!p0 s3, s7;
	s7 =	simm.s32 @!p0 $0x108  }
0x21: {  	s3 =	sadd.s32 s3, s9;
	s6 =	sadd.s32 @!p0 $0x88, s6;
	s7 =	simm.s32 @p2 $0x1082  }
0x22: {  	[simem:s7], [sflag:s8] =	dma.local @!p0 [hbm:s6], $0xF7A  }
0x23: {  	s9 =	sor.u32 $0xD0000000, s2;
	s6 =	simm.s32 $0x108;
	_ =	swait.ge @!p0 [sflag:s8], $0x0  }
0x24: {  	s3 =	sadd.s32 $0x88, s3;
	s6 =	simm.s32 @!p1 $0x1082;
	[sflag:s4] =	ssyncset.s32 $0xFFFFF086  }
0x25: {  	[simem:s6], [sflag:s4] =	dma.local [hbm:s3], $0xF7A  }
0x26: {  	[smem:$0x3F9F] =	sst s1;
	(tag) =	ssettag s2;
	_ =	strace s9  }
0x27: {  	s1 =	sld [smem:$0x3FAF]  }
0x28: {  	s2 =	sld [smem:$0x3FB0]  }
0x29: {  	s4 =	sld [smem:$0x3FB2]  }
0x2a: {  	p0 =	seq.s32 s5, $0x0;
	s5 =	sld [smem:$0x3FB3]  }
0x2b: {  	s6 =	sld [smem:$0x3FB4]  }
0x2c: {  	s7 =	sld [smem:$0x3FB5]  }
0x2d: {  	s3 =	simm.s32 $0x108;
	s8 =	sld [smem:$0x3FB6]  }
0x2e: {  	s3 =	simm.s32 @!p0 $0x1082;
	s9 =	sld [smem:$0x3FB7]  }
0x2f: {  	lr =	sadd.s32 s0, s3;
	s0 =	sld [smem:$0x3FAE]  }
0x30: {  	s3 =	sld [smem:$0x3FB1]  }
0x31: {  	[smem:$0x3FBA] =	sst s10  }
0x32: {  	s10 =	sld [smem:$0x3FB8];
	_ =	sdelay $0x3  }
0x33: {  	p0 =	seq.s32 s10, $0x1;
	s10 =	sld [smem:$0x3FBA];
	_ =	sdelay $0x3  }
0x34: {  	[smem:$0x3FBA] =	sst s10  }
0x35: {  	s10 =	sld [smem:$0x3FB9];
	_ =	sdelay $0x3  }
0x36: {  	p1 =	seq.s32 s10, $0x1;
	s10 =	sld [smem:$0x3FBA];
	_ =	sdelay $0x3  }
0x37: {  	[smem:$0x3FBA] =	sst s10  }
0x38: {  	s10 =	sld [smem:$0x3FBB]  }
0x39: {  	_ = 	snop;
	(pc) =	sbr.ind lr, $3  }
0x3a: {  	_ = 	snop  }
0x3b: {  	_ = 	snop  }
0x3c: {  	p2 =	seq.s32 s10, $0x1;
	s10 =	sld [smem:$0x3FBA]  }
0x3d: {  	_ =	shalt  }
0x3e: {  	_ =	shalt  }
0x3f: {  	_ =	shalt  }
0x40: {  	_ =	shalt  }
0x41: {  	_ =	shalt  }
0x42: {  	_ =	shalt  }
0x43: {  	_ =	shalt  }
0x44: {  	_ =	shalt  }
0x45: {  	_ =	shalt  }
0x46: {  	_ =	shalt  }
0x47: {  	_ =	shalt  }
0x48: {  	_ =	shalt  }
0x49: {  	_ =	shalt  }
0x4a: {  	_ =	shalt  }
0x4b: {  	_ =	shalt  }
0x4c: {  	_ =	shalt  }
0x4d: {  	_ =	shalt  }
0x4e: {  	_ =	shalt  }
0x4f: {  	_ =	shalt  }
0x50: {  	_ =	shalt  }
0x51: {  	_ =	shalt  }
0x52: {  	_ =	shalt  }
0x53: {  	_ =	shalt  }
0x54: {  	_ =	shalt  }
0x55: {  	_ =	shalt  }
0x56: {  	_ =	shalt  }
0x57: {  	_ =	shalt  }
0x58: {  	_ =	shalt  }
0x59: {  	_ =	shalt  }
0x5a: {  	_ =	shalt  }
0x5b: {  	_ =	shalt  }
0x5c: {  	_ =	shalt  }
0x5d: {  	_ =	shalt  }
0x5e: {  	_ =	shalt  }
0x5f: {  	_ =	shalt  }
0x60: {  	_ =	shalt  }
0x61: {  	_ =	shalt  }
0x62: {  	_ =	shalt  }
0x63: {  	_ =	shalt  }
0x64: {  	_ =	shalt  }
0x65: {  	_ =	shalt  }
0x66: {  	_ =	shalt  }
0x67: {  	_ =	shalt  }
0x68: {  	_ =	shalt  }
0x69: {  	_ =	shalt  }
0x6a: {  	_ =	shalt  }
0x6b: {  	_ =	shalt  }
0x6c: {  	_ =	shalt  }
0x6d: {  	_ =	shalt  }
0x6e: {  	_ =	shalt  }
0x6f: {  	_ =	shalt  }
0x70: {  	_ =	shalt  }
0x71: {  	_ =	shalt  }
0x72: {  	_ =	shalt  }
0x73: {  	_ =	shalt  }
0x74: {  	_ =	shalt  }
0x75: {  	_ =	shalt  }
0x76: {  	_ =	shalt  }
0x77: {  	_ =	shalt  }
0x78: {  	_ =	shalt  }
0x79: {  	_ =	shalt  }
0x7a: {  	_ =	shalt  }
0x7b: {  	_ =	shalt  }
0x7c: {  	_ =	shalt  }
0x7d: {  	_ =	shalt  }
0x7e: {  	_ =	shalt  }
0x7f: {  	_ =	shalt  }
0x80: {  	_ =	shalt  }
0x81: {  	_ =	shalt  }
0x82: {  	_ =	shalt  }
0x83: {  	_ =	shalt  }
0x84: {  	_ =	shalt  }
0x85: {  	_ =	shalt  }
0x86: {  	_ =	shalt  }
0x87: {  	_ =	shalt  }
.Lfunc_end0:
.L_simem_size_0:
called_computation_lowered:
.L_overlay_start_0:
0x88: {  	s2 =	sld [smem:$0x3FD9]  }
0x89: {  	s3 =	sld [smem:$0x3FFE];
	_ =	sdelay $0x1  }
0x8a: {  	s1 =	srdreg.scid  }
0x8b: {  	s0 =	sand.u32 $0x1, s1  }
0x8c: {  	s17 =	sshll.u32 s0, $0xA;
	s2 =	sadd.s32 s3, s2  }
0x8d: {  	s2 =	sadd.s32 s2, s17  }
0x8e: {  	[smem:$0x3FC6] =	sst s2  }
0x8f: {  	_ = 	snop  }
0x90: {  	s2 =	sld [smem:$0x3FC8];
	(tm) =	ssettm $0x1  }
0x91: {  	s18 =	sld [smem:$0x3FFB];
	_ =	sdelay $0x3  }
0x92: {  	_ =	strace s18  }
0x93: {  	s3 =	sld [smem:$0x3FFC];
	_ =	sdelay $0x3  }
0x94: {  	_ =	strace s3  }
0x95: {  	s3 =	sld [smem:$0x3FFD];
	_ =	sdelay $0x3  }
0x96: {  	_ =	strace s3  }
0x97: {  	_ =	strace $0x8FFFFFFF  }
0x98: {  	s19 =	sld [smem:$0x3FDB];
	_ =	sdelay $0x1  }
0x99: {  	s4 =	simm.s32 $_scs_section_size  }
0x9a: {  	s5 =	simm.s32 $_size__tile_overlayer_lowered;
	s6 =	simm.s32 $_tile_overlayer_lowered  }
0x9b: {  	s22 =	simm.s32 $0x1BFF;
	s21 =	sshll.u32 s6, $0x1;
	s3 =	sadd.s32 s4, s19  }
0x9c: {  	s7 =	simm.s32 $0x0;
	s20 =	sshll.u32 s5, $0x1;
	s5 =	sadd.s32 s21, s3  }
0x9d: {  	[timem:s7], [sflag:s22] =	dma.local [hbm:s5], s20  }
0x9e: {  	_ =	swait.ge [sflag:s22], s20  }
0x9f: {  	s4 =	ssub.s32 $0x0, s20;
	[sflag:s22] =	ssyncset.done $0x0  }
0xa0: {  	[sflag:s22] =	ssyncadd.s32 s4;
	_ =	sdelay $0x1  }
0xa1: {  	s23 =	simm.s32 $0x1B8B  }
0xa2: {  	_ =	swait.ge [sflag:s23], $0x1  }
0xa3: {  	[sflag:s23] =	ssyncset.done $0x0  }
0xa4: {  	s25 =	simm.s32 $0x1B8E;
	s24 =	sld [smem:$0x3FFE];
	[sflag:s23] =	ssyncadd.s32 $0xFFFFFFFF  }
0xa5: {  	s26 =	simm.s32 $execute0_lowered;
	[smem:$0x3FD2] =	sst s25  }
0xa6: {  	s5 =	sshll.u32 s26, $0x1;
	_ =	strace $0x80000046;
	[dreg:$0x1] =	wrdreg $0xFFFFFFFF  }
0xa7: {  	s28 =	simm.s32 $_size_execute0_lowered;
	s3 =	sadd.s32 s3, s5;
	[dreg:$0x0] =	wrdreg $0x0  }
0xa8: {  	s5 =	sshll.u32 s28, $0x1;
	[dreg:$0x2] =	wrdreg s3  }
0xa9: {  	[dreg:$0x3] =	wrdreg s5  }
0xaa: {  	[dreg:$0x4] =	wrdreg $0xC0  }
0xab: {  	_ =	task [dreg:s7], $0x5FFFF  }
0xac: {  	[dreg:$0x1] =	wrdreg $0xFFFFFFFF  }
0xad: {  	[dreg:$0x0] =	wrdreg $0x60  }
0xae: {  	[dreg:$0x2] =	wrdreg s24  }
0xaf: {  	[dreg:$0x3] =	wrdreg s2  }
0xb0: {  	[dreg:$0x4] =	wrdreg $0x9  }
0xb1: {  	_ =	task.clear_ibuf [dreg:s7], $0x5FFFF;
	_ =	strace $0x90000046  }
0xb2: {  	s29 =	simm.s32 $0x9;
	_ =	strace $0x80000048  }
0xb3: {  	_ =	swait.ge [sflag:s29], $0x1  }
0xb4: {  	[sflag:s29] =	ssyncadd.s32 $0xFFFFFFFF  }
0xb5: {  	_ =	strace $0x90000048  }
0xb6: {  	_ =	sfence  }
0xb7: {  	s30 =	sld [smem:$0x0];
	_ =	sdelay $0x2  }
0xb8: {  	s31 =	sshll.u32 s1, $0xD;
	s1 =	sshrl.u32 s1, $0x2  }
0xb9: {  	s3 =	sand.u32 $0x4000, s31;
	s1 =	sadd.s32 s1, s30  }
0xba: {  	s0 =	sor.u32 s3, s0;
	s1 =	sshll.u32 s1, $0x11  }
0xbb: {  	s0 =	sor.u32 s1, s0  }
0xbc: {  	s0 =	sadd.s32 $0x8F2B, s0  }
0xbd: {  	[sflag:s0] =	ssyncadd.remote.s32 $0x1  }
0xbe: {  	_ =	sfence.sel $0xFFFF  }
0xbf: {  	[dreg:$0x0] =	wrdreg $0xFFFFFFFF;
	(pc) =	sbr.abs _section_cstart, $3  }
0xc0: {  	[dreg:$0x1] =	wrdreg $0xFFFFFFFF  }
0xc1: {  	_ =	task.clear_ibuf [dreg:s7], $0x2FFFF;
	_ =	strace $0x9FFFFFFF  }
0xc2: {  	(tm) =	ssettm $0x7FFFFFFF  }
0xc3: {  	_ =	shalt  }
tec
execute0_lowered:
.L_overlay_start_1:
0x0: {  	(tag) =	ssettag $0x1  }
0x1: {  	s1 =	srdreg.scid;
	s5 =	rddreg [dreg:$0x0]  }
0x2: {  	s0 =	stileid.u32;
	s2 =	rddreg [dreg:$0x1];
	s3 =	simm.s32 $0x0  }
0x3: {  	s10 =	simm.s32 $0x1;
	s4 =	sand.u32 $0x1, s1;
	s31 =	sshll.u32 s0, $0x1  }
0x4: {  	s11 =	simm.s32 $0x3A40;
	s12 =	simm.s32 $0x2;
	s1 =	sor.u32 s4, s31  }
0x5: {  	s14 =	simm.s32 $0x3AE0;
	[smem:$0x7FF] =	sst s3;
	s13 =	smul.u32 $0x48, s1  }
0x6: {  	s15 =	simm.s32 $0x0;
	s4 =	ssub.s32 $0x2, s4;
	s1 =	rddreg [dreg:$0x2]  }
0x7: {  	s7 =	sshrl.u32 s4, $0x1;
	_ =	strace $0x80000047;
	s6 =	sshrl.u32 s13, $0x3  }
0x8: {  	s9 =	ssub.s32 s4, s7;
	v0 =	vmov s13;
	s13 =	simm.s32 $0x3A90;
	s8 =	sadd.s32 s6, s5  }
0x9: {  	s4 =	sadd.s32 $0x400, s8;
	s5 =	sadd.s32 $0x6400, s8;
	s6 =	sadd.s32 $0x6520, s8  }
0xa: {  	v1 =	vlaneseq.u32;
	s7 =	sadd.s32 $0x6640, s8;
	s8 =	smax.u32 s9, $0x1;
	s9 =	simm.s32 $0x1A90  }
.LBB2_1:
0xb: {  	s16 =	simm.s32 $0x120  }
0xc: {  	s19 =	sadd.s32 $0x0, s4;
	s17 =	simm.s32 $0x50;
	s18 =	simm.s32 $0x0  }
.LBB2_2:
0xd: {  	[tilespmem:s18], [sflag:$0x1] =	stream.linear.gather [hbm4b:s19+s3], $0x48, $0x38;
	[tilespmem:$0x3B30] =	vst v63  }
0xe: {  	s19 =	smov.u32 s16;
	s18 =	smov.u32 s17;
	p0 =	sne.s32 s16, $0x5E80  }
.Ltmp0:
0xf: {  	s16 =	sadd.s32 $0x120, s16;
	(pc) =	sbr.rel @p0 .LBB2_2-.Ltmp0, $2  }
0x10: {  	_ =	sdelay $0x2  }
0x11: {  	s17 =	sadd.s32 $0x50, s17;
	s19 =	sadd.s32 s19, s4  }
0x12: {  	[tilespmem:s18], [sflag:$0x1] =	stream.linear.gather [hbm4b:s19+s3], $0x48, $0x38;
	[tilespmem:$0x3B30] =	vst v63  }
0x13: {  	s16 =	simm.s32 $0x0  }
0x14: {  	[tilespmem:s9], [sflag:$0x1] =	stream.linear.gather [hbm4b:s2+s16], $0x1FB0, $0x38;
	[tilespmem:$0x3B30] =	vst v63  }
0x15: {  	_ =	swait.ge [sflag:s10], $0x17E8  }
0x16: {  	[sflag:s10] =	ssyncset.done $0x0  }
0x17: {  	[sflag:s10] =	ssyncadd.s32 $0xFFFFE818  }
0x18: {  	_ =	swait.ge [sflag:s10], $0x1FB0  }
0x19: {  	[sflag:s10] =	ssyncset.done $0x0  }
0x1a: {  	s17 =	simm.s32 $0x0;
	[sflag:s10] =	ssyncadd.s32 $0xFFFFE050  }
.LBB2_4:
0x1b: {  	s18 =	sshll.u32 s17, $0x4;
	v2 =	vmov s16  }
0x1c: {  	v3 =	vor.u32 s18, v1;
	v6 =	vmul.u32 $0x50, v2  }
0x1d: {  	v8 =	vmin.u32 v3, $0x47  }
0x1e: {  	s19 =	smulhi.u32 $0xCCCCCCCD, s16;
	v2 =	vadd.s32 v8, v6  }
0x1f: {  	s20 =	smul.u32 $0xCD, s16;
	v7 =	vadd.s32 $0x7D0, v8  }
0x20: {  	s19 =	sshrl.u32 s19, $0x2;
	v3 =	vadd.s32 v0, v8;
	v4 =	vadd.s32 v7, v6  }
0x21: {  	s20 =	sshrl.u32 s20, $0xA;
	s19 =	smul.u32 $0xFFFFFFFB, s19;
	v5 =	vmulhi.u32 $0x5555556, v3  }
0x22: {  	s21 =	sand.u32 $0x3F, s20  }
0x23: {  	s20 =	sadd.s32 $0xFFFFFFFF, s21;
	s19 =	sadd.s32 $0x0, s19;
	v10 =	vmul.u32 $0xFFFFFFD0, v5;
	v2 =	vld.idx.msk [tilespmem:v2+s3+$0x0], $0xffff  }
0x24: {  	s20 =	scvt.s32.f32 s20;
	v9 =	vcvt.s32.f32 v5;
	s19 =	scvt.s32.f32 s19  }
0x25: {  	v3 =	vadd.s32 v3, v10;
	v4 =	vld.idx.msk [tilespmem:v4+s3+$0x0], $0xffff  }
0x26: {  	s19 =	sadd.f32 $-1.000000000e+00, s19;
	v5 =	vcvt.s32.f32 v3;
	v3 =	vadd.f32 s20, v9;
	_ =	sdelay $0x1  }
0x27: {  	v2 =	vadd.f32 v2, v3;
	v3 =	vadd.f32 s19, v5;
	_ =	sdelay $0x1  }
0x28: {  	v2 =	vmax.f32 v2, $0.0e+00;
	v3 =	vadd.f32 v4, v3  }
0x29: {  	v10 =	vmin.f32 v2, $5.100000000e+01  }
0x2a: {  	v2 =	vtrunc.f32 v10;
	v3 =	vmax.f32 v3, $0.0e+00  }
0x2b: {  	v12 =	vmin.f32 v3, $5.100000000e+01;
	v13 =	vcvt.f32.s32 v2  }
0x2c: {  	v2 =	vtrunc.f32 v12  }
0x2d: {  	s20 =	simm.s32 $0x1;
	v4 =	vcvt.f32.s32 v2;
	v2 =	vmul.u32 $0x34, v13  }
0x2e: {  	v3 =	vmov s20  }
0x2f: {  	v11 =	vmul.u32 $0x50, v3;
	v3 =	vadd.s32 $0x34, v2;
	v14 =	vadd.s32 v4, v2  }
0x30: {  	v2 =	vadd.s32 $0x33, v2;
	vm0 =	vlt.s32 v3, $0xA5C;
	v15 =	vadd.s32 $0x1, v14  }
0x31: {  	v16 =	vadd.s32 v8, v11;
	v3 =	vnsel vm0, $0xA5C, v3;
	vm11 =	vlt.s32 v15, v2  }
0x32: {  	v17 =	vadd.s32 $0x1520, v14;
	v15 =	vsel vm11, v15, v2;
	v18 =	vadd.s32 v4, v3  }
0x33: {  	v2 =	vsub.s32 v15, v14;
	v3 =	vadd.s32 $0x1520, v18  }
0x34: {  	v19 =	vadd.s32 v18, v2;
	v2 =	vadd.s32 $0x1520, v15  }
0x35: {  	s30 =	smul.u32 $0xCD, s20;
	v20 =	vadd.s32 $0x1520, v19  }
0x36: {  	v21 =	vmov s21;
	s22 =	smulhi.u32 $0xCCCCCCCD, s20;
	v16 =	vld.idx.msk [tilespmem:v16+s3+$0x0], $0xffff  }
0x37: {  	v22 =	vmul.u32 $0xFFFFFFFB, v21;
	s19 =	sshrl.u32 s30, $0xA;
	v23 =	vadd.s32 v7, v11;
	v17 =	vld.idx.msk [tilespmem:v17+s9+$0x0], $0xffff  }
0x38: {  	s22 =	sshrl.u32 s22, $0x2;
	s31 =	sand.u32 $0x3F, s19;
	v25 =	vld.idx.msk [tilespmem:v3+s9+$0x0], $0xffff  }
0x39: {  	v21 =	vmul.u32 $0x50, v21;
	v22 =	vadd.s32 s16, v22;
	s23 =	smul.u32 $0xFFFFFFFB, s22;
	s24 =	sadd.s32 $0xFFFFFFFF, s31;
	v26 =	vld.idx.msk [tilespmem:v2+s9+$0x0], $0xffff  }
0x3a: {  	v22 =	vmul.u32 $0x50, v22;
	s22 =	scvt.s32.f32 s24;
	v27 =	vadd.s32 $0xA90, v18;
	v3 =	vadd.s32 $0x1770, v8;
	v20 =	vld.idx.msk [tilespmem:v20+s9+$0x0], $0xffff  }
0x3b: {  	s19 =	sadd.s32 $0x1, s23;
	v2 =	vor.u32 $0x1900, v8;
	v21 =	vadd.s32 v21, v3  }
0x3c: {  	s19 =	scvt.s32.f32 s19;
	v28 =	vadd.f32 s22, v9;
	v29 =	vcvt.s32.f32 v4;
	v23 =	vld.idx.msk [tilespmem:v23+s3+$0x0], $0xffff;
	v22 =	vadd.s32 v22, v2  }
0x3d: {  	v38 =	vmov s31;
	v13 =	vcvt.s32.f32 v13;
	v31 =	vadd.s32 $0xA90, v14;
	v14 =	vld.idx.msk [tilespmem:v14+s9+$0x0], $0xffff  }
0x3e: {  	s19 =	sadd.f32 $-1.000000000e+00, s19;
	v29 =	vsub.f32 v12, v29;
	v4 =	vadd.s32 $0xFA0, v8;
	v18 =	vld.idx.msk [tilespmem:v18+s9+$0x0], $0xffff;
	v16 =	vadd.f32 v16, v28  }
0x3f: {  	v28 =	vadd.s32 v4, v6;
	v12 =	vsub.f32 v26, v17;
	v26 =	vld.idx.msk [tilespmem:v27+s9+$0x0], $0xffff;
	v20 =	vsub.f32 v20, v25  }
0x40: {  	v40 =	vmul.u32 $0xFFFFFFFB, v38;
	v13 =	vsub.f32 v10, v13;
	v27 =	vadd.f32 s19, v5;
	v21 =	vld.idx.msk [tilespmem:v21+s3+$0x0], $0xffff  }
0x41: {  	v30 =	vadd.s32 $0xA90, v15;
	v22 =	vld.idx.msk [tilespmem:v22+s3+$0x0], $0xffff;
	v12 =	vmul.f32 v12, v29;
	v20 =	vmul.f32 v20, v29  }
0x42: {  	v24 =	vadd.s32 $0xA90, v19;
	v15 =	vld.idx.msk [tilespmem:v15+s9+$0x0], $0xffff;
	v16 =	vmax.f32 v16, $0.0e+00;
	v23 =	vadd.f32 v23, v27  }
0x43: {  	v19 =	vld.idx.msk [tilespmem:v19+s9+$0x0], $0xffff;
	v16 =	vmin.f32 v16, $5.100000000e+01;
	s19 =	simm.s32 $0x2;
	v17 =	vadd.f32 v12, v17;
	v12 =	vadd.f32 v20, v25  }
0x44: {  	v27 =	vld.idx.msk [tilespmem:v28+s3+$0x0], $0xffff;
	v23 =	vmax.f32 v23, $0.0e+00;
	v20 =	vmov s19;
	v25 =	vtrunc.f32 v16  }
0x45: {  	v23 =	vmin.f32 v23, $5.100000000e+01;
	v32 =	vcvt.f32.s32 v25;
	v10 =	vsub.f32 v12, v17  }
0x46: {  	v21 =	vmul.f32 v22, v21;
	v12 =	vmul.u32 $0x50, v20;
	v20 =	vtrunc.f32 v23  }
0x47: {  	v20 =	vcvt.f32.s32 v20;
	v25 =	vmul.u32 $0x34, v32;
	v22 =	vmul.f32 v10, v13  }
0x48: {  	v58 =	vadd.s32 s20, v40;
	v24 =	vld.idx.msk [tilespmem:v24+s9+$0x0], $0xffff;
	v15 =	vsub.f32 v15, v14;
	v19 =	vsub.f32 v19, v18  }
0x49: {  	v10 =	vmul.f32 v21, v27;
	v21 =	vld.idx.msk [tilespmem:v30+s9+$0x0], $0xffff;
	v27 =	vadd.s32 v20, v25;
	v17 =	vadd.f32 v22, v17  }
0x4a: {  	v30 =	vld.idx.msk [tilespmem:v31+s9+$0x0], $0xffff;
	v22 =	vadd.s32 $0x34, v25;
	v25 =	vadd.s32 $0x33, v25;
	v31 =	vadd.s32 $0x1, v27  }
0x4b: {  	v28 =	vadd.s32 v8, v12;
	vm12 =	vlt.s32 v22, $0xA5C;
	vm13 =	vlt.s32 v31, v25  }
0x4c: {  	v33 =	vadd.s32 $0x1520, v27;
	v22 =	vnsel vm12, $0xA5C, v22;
	v31 =	vsel vm13, v31, v25  }
0x4d: {  	v22 =	vadd.s32 v20, v22;
	v25 =	vsub.s32 v31, v27;
	v36 =	vadd.s32 $0x1520, v31  }
0x4e: {  	v24 =	vsub.f32 v24, v26;
	v34 =	vadd.s32 $0x1520, v22;
	v25 =	vadd.s32 v22, v25  }
0x4f: {  	v15 =	vmul.f32 v15, v29;
	s25 =	smul.u32 $0xCD, s19;
	v21 =	vsub.f32 v21, v30;
	v37 =	vadd.s32 $0x1520, v25  }
0x50: {  	v11 =	vadd.s32 v4, v11;
	s26 =	smulhi.u32 $0xCCCCCCCD, s19;
	v19 =	vmul.f32 v19, v29;
	v24 =	vmul.f32 v24, v29;
	v28 =	vld.idx.msk [tilespmem:v28+s3+$0x0], $0xffff  }
0x51: {  	v15 =	vadd.f32 v15, v14;
	s22 =	sshrl.u32 s25, $0xA;
	v41 =	vadd.s32 v7, v12;
	v33 =	vld.idx.msk [tilespmem:v33+s9+$0x0], $0xffff;
	v21 =	vmul.f32 v21, v29  }
0x52: {  	v6 =	vimm.f32 $0.0e+00;
	s23 =	sshrl.u32 s26, $0x2;
	s21 =	sand.u32 $0x3F, s22;
	v18 =	vadd.f32 v19, v18;
	v24 =	vadd.f32 v24, v26;
	v36 =	vld.idx.msk [tilespmem:v36+s9+$0x0], $0xffff  }
0x53: {  	s28 =	smul.u32 $0xFFFFFFFB, s23;
	s29 =	sadd.s32 $0xFFFFFFFF, s21;
	v35 =	vadd.s32 $0xA90, v22;
	v29 =	vmul.u32 $0x50, v38;
	v26 =	vadd.f32 v21, v30;
	v34 =	vld.idx.msk [tilespmem:v34+s9+$0x0], $0xffff  }
0x54: {  	s30 =	scvt.s32.f32 s29;
	v17 =	vmul.f32 v17, v10;
	v39 =	vadd.s32 $0xA90, v25;
	v21 =	vmul.u32 $0x50, v58;
	v30 =	vld.idx.msk [tilespmem:v37+s9+$0x0], $0xffff  }
0x55: {  	s22 =	sadd.s32 $0x2, s28;
	v20 =	vcvt.s32.f32 v20;
	v14 =	vadd.s32 v29, v3;
	v19 =	vsub.f32 v24, v26  }
0x56: {  	v18 =	vsub.f32 v18, v15;
	s22 =	scvt.s32.f32 s22;
	v60 =	vld.idx.msk [tilespmem:v41+s3+$0x0], $0xffff;
	v24 =	vadd.f32 s30, v9;
	v29 =	vadd.s32 v21, v2  }
0x57: {  	v17 =	vadd.f32 v17, v6;
	v61 =	vld.idx.msk [tilespmem:v25+s9+$0x0], $0xffff;
	v25 =	vsub.f32 v23, v20;
	v19 =	vmul.f32 v19, v13  }
0x58: {  	s31 =	sadd.f32 $-1.000000000e+00, s22;
	v21 =	vld.idx.msk [tilespmem:v35+s9+$0x0], $0xffff;
	v24 =	vadd.f32 v28, v24;
	v13 =	vmul.f32 v18, v13;
	v23 =	vsub.f32 v36, v33  }
0x59: {  	v62 =	vadd.s32 $0xA90, v27;
	v39 =	vld.idx.msk [tilespmem:v39+s9+$0x0], $0xffff;
	v20 =	vadd.f32 v19, v26;
	v28 =	vsub.f32 v30, v34  }
0x5a: {  	v63 =	vld.idx.msk [tilespmem:v14+s3+$0x0], $0xffff;
	v18 =	vadd.f32 v13, v15;
	v13 =	vcvt.s32.f32 v32;
	v30 =	vadd.f32 s31, v5  }
0x5b: {  	v14 =	vmax.f32 v24, $0.0e+00;
	v24 =	vld.idx.msk [tilespmem:v29+s3+$0x0], $0xffff;
	v19 =	vmul.f32 v23, v25;
	v23 =	vmul.f32 v28, v25  }
0x5c: {  	v11 =	vld.idx.msk [tilespmem:v11+s3+$0x0], $0xffff;
	v59 =	vadd.s32 $0xA90, v31;
	v16 =	vsub.f32 v16, v13;
	v26 =	vadd.f32 v60, v30  }
0x5d: {  	s20 =	simm.s32 $0x3;
	v14 =	vmin.f32 v14, $5.100000000e+01;
	v28 =	vld.idx.msk [tilespmem:v22+s9+$0x0], $0xffff;
	v22 =	vadd.f32 v19, v33;
	v15 =	vadd.f32 v23, v34  }
0x5e: {  	v30 =	vmov s20;
	v19 =	vtrunc.f32 v14;
	v23 =	vmax.f32 v26, $0.0e+00  }
0x5f: {  	v19 =	vcvt.f32.s32 v19;
	v23 =	vmin.f32 v23, $5.100000000e+01;
	v13 =	vsub.f32 v15, v22  }
0x60: {  	v34 =	vsub.f32 v39, v21;
	v15 =	vmul.f32 v24, v63;
	v24 =	vtrunc.f32 v23  }
0x61: {  	v29 =	vcvt.f32.s32 v24;
	v24 =	vmul.u32 $0x34, v19;
	v26 =	vmul.f32 v13, v16  }
0x62: {  	v37 =	vsub.f32 v61, v28;
	v13 =	vmul.u32 $0x50, v30;
	v15 =	vmul.f32 v15, v11  }
0x63: {  	v36 =	vld.idx.msk [tilespmem:v31+s9+$0x0], $0xffff;
	v40 =	vadd.s32 v29, v24;
	v11 =	vadd.f32 v26, v22;
	v22 =	vadd.s32 $0x34, v24  }
0x64: {  	v32 =	vld.idx.msk [tilespmem:v62+s9+$0x0], $0xffff;
	v26 =	vadd.s32 $0x33, v24;
	v30 =	vadd.s32 $0x1, v40;
	v39 =	vadd.s32 v8, v13  }
0x65: {  	v33 =	vld.idx.msk [tilespmem:v59+s9+$0x0], $0xffff;
	v38 =	vadd.s32 $0x1520, v40;
	vm14 =	vlt.s32 v22, $0xA5C;
	vm15 =	vlt.s32 v30, v26  }
0x66: {  	v24 =	vld.idx.msk [tilespmem:v27+s9+$0x0], $0xffff;
	v11 =	vmul.f32 v11, v15;
	v22 =	vnsel vm14, $0xA5C, v22;
	v27 =	vsel vm15, v30, v26  }
0x67: {  	v26 =	vadd.s32 v29, v22;
	v31 =	vadd.s32 $0xA90, v27;
	v41 =	vadd.s32 $0x1520, v27  }
0x68: {  	v11 =	vadd.f32 v11, v17;
	v17 =	vsub.s32 v27, v40;
	v42 =	vadd.s32 $0x1520, v26  }
0x69: {  	s22 =	simm.s32 $0x4;
	v22 =	vld.idx.msk [tilespmem:v40+s9+$0x0], $0xffff;
	v30 =	vadd.s32 $0xA90, v26;
	v35 =	vadd.s32 v26, v17;
	v17 =	vimm.f32 $0.0e+00  }
.LBB2_5:
0x6a: {  	p0 =	sne.s32 s22, $0x18;
	v40 =	vadd.s32 $0xA90, v40;
	v43 =	vadd.s32 $0xA90, v35;
	v44 =	vadd.s32 $0x1520, v35  }
0x6b: {  	s23 =	smul.u32 $0xCD, s20;
	v45 =	vmov s21;
	v36 =	vsub.f32 v36, v24;
	v33 =	vsub.f32 v33, v32;
	v39 =	vld.idx.msk [tilespmem:v39+s3+$0x0], $0xffff  }
0x6c: {  	s21 =	smulhi.u32 $0xCCCCCCCD, s20;
	v37 =	vmul.f32 v37, v25;
	v34 =	vmul.f32 v34, v25;
	v46 =	vmul.u32 $0xFFFFFFFB, v45;
	v38 =	vld.idx.msk [tilespmem:v38+s9+$0x0], $0xffff  }
0x6d: {  	v47 =	vadd.s32 v7, v13;
	s23 =	sshrl.u32 s23, $0xA;
	v36 =	vmul.f32 v36, v25;
	v25 =	vmul.f32 v33, v25;
	v42 =	vld.idx.msk [tilespmem:v42+s9+$0x0], $0xffff  }
0x6e: {  	s24 =	sshrl.u32 s21, $0x2;
	v33 =	vmul.u32 $0x50, v45;
	v21 =	vadd.f32 v34, v21;
	s21 =	sand.u32 $0x3F, s23;
	v45 =	vadd.s32 s19, v46;
	s19 =	smov.u32 s20;
	v41 =	vld.idx.msk [tilespmem:v41+s9+$0x0], $0xffff  }
0x6f: {  	v28 =	vadd.f32 v37, v28;
	s23 =	smul.u32 $0xFFFFFFFB, s24;
	s20 =	smov.u32 s22;
	s24 =	sadd.s32 $0xFFFFFFFF, s21;
	v34 =	vmul.u32 $0x50, v45;
	v32 =	vadd.f32 v25, v32;
	v44 =	vld.idx.msk [tilespmem:v44+s9+$0x0], $0xffff  }
0x70: {  	v20 =	vmul.f32 v20, v10;
	v37 =	vadd.s32 v33, v3;
	v45 =	vadd.f32 v36, v24;
	s24 =	scvt.s32.f32 s24;
	v43 =	vld.idx.msk [tilespmem:v43+s9+$0x0], $0xffff  }
0x71: {  	v18 =	vmul.f32 v18, v10;
	s23 =	sadd.s32 s23, s19;
	v34 =	vadd.s32 v34, v2;
	v21 =	vsub.f32 v21, v32;
	v35 =	vld.idx.msk [tilespmem:v35+s9+$0x0], $0xffff  }
0x72: {  	v29 =	vcvt.s32.f32 v29;
	v10 =	vmovc v15;
	v24 =	vmovc v22;
	s23 =	scvt.s32.f32 s23;
	v28 =	vsub.f32 v28, v45;
	v25 =	vadd.f32 s24, v9;
	v46 =	vld.idx.msk [tilespmem:v47+s3+$0x0], $0xffff  }
0x73: {  	v6 =	vadd.f32 v18, v6;
	v17 =	vadd.f32 v20, v17;
	v15 =	vmul.f32 v21, v16;
	v33 =	vld.idx.msk [tilespmem:v31+s9+$0x0], $0xffff  }
0x74: {  	v22 =	vadd.s32 v4, v12;
	s23 =	sadd.f32 $-1.000000000e+00, s23;
	v18 =	vadd.f32 v39, v25;
	v25 =	vsub.f32 v23, v29;
	v21 =	vld.idx.msk [tilespmem:v30+s9+$0x0], $0xffff  }
0x75: {  	v16 =	vmul.f32 v28, v16;
	v23 =	vsub.f32 v41, v38;
	v30 =	vsub.f32 v44, v42;
	v29 =	vld.idx.msk [tilespmem:v37+s3+$0x0], $0xffff  }
0x76: {  	v12 =	vmov v13;
	v28 =	vadd.f32 s23, v5;
	v20 =	vadd.f32 v15, v32;
	v31 =	vld.idx.msk [tilespmem:v34+s3+$0x0], $0xffff  }
0x77: {  	v13 =	vmax.f32 v18, $0.0e+00;
	v15 =	vmul.f32 v23, v25;
	v23 =	vmul.f32 v30, v25;
	v36 =	vld.idx.msk [tilespmem:v27+s9+$0x0], $0xffff  }
0x78: {  	v18 =	vadd.f32 v16, v45;
	v13 =	vmin.f32 v13, $5.100000000e+01;
	v27 =	vadd.f32 v46, v28;
	v28 =	vld.idx.msk [tilespmem:v26+s9+$0x0], $0xffff  }
0x79: {  	v16 =	vcvt.s32.f32 v19;
	v26 =	vadd.f32 v15, v38;
	v15 =	vadd.f32 v23, v42;
	v22 =	vld.idx.msk [tilespmem:v22+s3+$0x0], $0xffff  }
0x7a: {  	v30 =	vmov s22;
	v19 =	vtrunc.f32 v13;
	v34 =	vsub.f32 v43, v21;
	v32 =	vld.idx.msk [tilespmem:v40+s9+$0x0], $0xffff  }
0x7b: {  	v16 =	vsub.f32 v14, v16;
	v14 =	vmovc v13;
	v23 =	vmax.f32 v27, $0.0e+00;
	v15 =	vsub.f32 v15, v26  }
0x7c: {  	v19 =	vcvt.f32.s32 v19;
	v23 =	vmin.f32 v23, $5.100000000e+01;
	v27 =	vmul.f32 v31, v29  }
0x7d: {  	v13 =	vmul.u32 $0x50, v30;
	v29 =	vtrunc.f32 v23;
	v30 =	vmul.f32 v15, v16  }
0x7e: {  	v31 =	vmul.u32 $0x34, v19;
	v29 =	vcvt.f32.s32 v29;
	v37 =	vsub.f32 v35, v28  }
0x7f: {  	v39 =	vadd.s32 v8, v13;
	v15 =	vmul.f32 v27, v22;
	v22 =	vadd.f32 v30, v26  }
0x80: {  	v26 =	vadd.s32 $0x34, v31;
	v40 =	vadd.s32 v29, v31;
	v27 =	vadd.s32 $0x33, v31  }
.Ltmp1:
0x81: {  	vm0 =	vlt.s32 v26, $0xA5C;
	v30 =	vadd.s32 $0x1, v40;
	v22 =	vmul.f32 v22, v15;
	(pc) =	sbr.rel @p0 .LBB2_5-.Ltmp1, $4  }
0x82: {  	v38 =	vadd.s32 $0x1520, v40;
	v26 =	vnsel vm0, $0xA5C, v26;
	vm0 =	vlt.s32 v30, v27  }
0x83: {  	v27 =	vsel vm0, v30, v27;
	v26 =	vadd.s32 v29, v26;
	v11 =	vadd.f32 v22, v11  }
0x84: {  	v22 =	vsub.s32 v27, v40;
	v31 =	vadd.s32 $0xA90, v27;
	v42 =	vadd.s32 $0x1520, v26  }
0x85: {  	s22 =	sadd.s32 $0x1, s22;
	v30 =	vadd.s32 $0xA90, v26;
	v41 =	vadd.s32 $0x1520, v27;
	v35 =	vadd.s32 v26, v22;
	v22 =	vld.idx.msk [tilespmem:v40+s9+$0x0], $0xffff  }
0x86: {  	s23 =	smulhi.u32 $0xCCCCCCCD, s20  }
0x87: {  	s22 =	smul.u32 $0xCD, s20  }
0x88: {  	v7 =	vadd.s32 v7, v13;
	s23 =	sshrl.u32 s23, $0x2  }
0x89: {  	v8 =	vmov s21;
	v40 =	vadd.s32 $0xA90, v40;
	v43 =	vadd.s32 $0x1520, v35;
	s22 =	sshrl.u32 s22, $0xA;
	s23 =	smul.u32 $0xFFFFFFFB, s23  }
0x8a: {  	v39 =	vld.idx.msk [tilespmem:v39+s3+$0x0], $0xffff;
	v36 =	vsub.f32 v36, v24;
	v33 =	vsub.f32 v33, v32;
	v37 =	vmul.f32 v37, v25;
	s22 =	sand.u32 $0x3F, s22  }
0x8b: {  	v34 =	vmul.f32 v34, v25;
	v45 =	vadd.s32 $0xA90, v35;
	v38 =	vld.idx.msk [tilespmem:v38+s9+$0x0], $0xffff;
	v48 =	vcvt.s32.f32 v29;
	s24 =	sadd.s32 $0xFFFFFFFF, s22;
	s31 =	sadd.s32 s23, s20  }
0x8c: {  	v12 =	vadd.s32 v4, v12;
	v19 =	vcvt.s32.f32 v19;
	v27 =	vld.idx.msk [tilespmem:v27+s9+$0x0], $0xffff;
	v44 =	vmul.u32 $0xFFFFFFFB, v8;
	s24 =	scvt.s32.f32 s24;
	s21 =	scvt.s32.f32 s31  }
0x8d: {  	v60 =	vmul.f32 v18, v10;
	v8 =	vmul.u32 $0x50, v8;
	v21 =	vadd.f32 v34, v21;
	v7 =	vld.idx.msk [tilespmem:v7+s3+$0x0], $0xffff  }
0x8e: {  	v28 =	vadd.f32 v37, v28;
	v63 =	vadd.s32 s19, v44;
	v44 =	vld.idx.msk [tilespmem:v41+s9+$0x0], $0xffff;
	v9 =	vadd.f32 s24, v9;
	s21 =	sadd.f32 $-1.000000000e+00, s21  }
0x8f: {  	v61 =	vmul.f32 v33, v25;
	v14 =	vsub.f32 v14, v19;
	v6 =	vadd.f32 v60, v6  }
0x90: {  	v62 =	vld.idx.msk [tilespmem:v42+s9+$0x0], $0xffff;
	v36 =	vmul.f32 v36, v25;
	v9 =	vadd.f32 v39, v9;
	v5 =	vadd.f32 s21, v5  }
0x91: {  	v8 =	vadd.s32 v8, v3;
	v46 =	vmul.u32 $0x50, v63;
	v25 =	vadd.f32 v61, v32;
	v47 =	vld.idx.msk [tilespmem:v43+s9+$0x0], $0xffff  }
0x92: {  	v24 =	vadd.f32 v36, v24;
	v9 =	vmax.f32 v9, $0.0e+00;
	v5 =	vadd.f32 v7, v5  }
0x93: {  	v27 =	vsub.f32 v27, v22;
	v34 =	vsub.f32 v44, v38;
	v9 =	vmin.f32 v9, $5.100000000e+01  }
0x94: {  	v7 =	vmul.f32 v20, v10;
	v50 =	vtrunc.f32 v9;
	v5 =	vmax.f32 v5, $0.0e+00  }
0x95: {  	v35 =	vld.idx.msk [tilespmem:v35+s9+$0x0], $0xffff;
	v20 =	vsub.f32 v23, v48;
	v23 =	vcvt.f32.s32 v50;
	v5 =	vmin.f32 v5, $5.100000000e+01  }
0x96: {  	v31 =	vld.idx.msk [tilespmem:v31+s9+$0x0], $0xffff;
	v49 =	vadd.s32 v46, v2;
	v51 =	vsub.f32 v47, v62;
	v52 =	vtrunc.f32 v5  }
0x97: {  	v30 =	vld.idx.msk [tilespmem:v30+s9+$0x0], $0xffff;
	v34 =	vmul.f32 v34, v20;
	v53 =	vmul.u32 $0x34, v23;
	v37 =	vcvt.f32.s32 v52  }
0x98: {  	v26 =	vld.idx.msk [tilespmem:v26+s9+$0x0], $0xffff;
	v21 =	vsub.f32 v21, v25;
	v28 =	vsub.f32 v28, v24;
	v36 =	vmul.f32 v51, v20  }
0x99: {  	v32 =	vld.idx.msk [tilespmem:v45+s9+$0x0], $0xffff;
	v34 =	vadd.f32 v34, v38;
	v54 =	vadd.s32 $0x34, v53;
	v42 =	vadd.s32 v37, v53  }
0x9a: {  	v40 =	vld.idx.msk [tilespmem:v40+s9+$0x0], $0xffff;
	v33 =	vadd.f32 v36, v62;
	vm0 =	vlt.s32 v54, $0xA5C;
	v57 =	vadd.s32 $0x1520, v42  }
0x9b: {  	v8 =	vld.idx.msk [tilespmem:v8+s3+$0x0], $0xffff;
	v39 =	vadd.s32 $0x33, v53;
	v56 =	vnsel vm0, $0xA5C, v54;
	v60 =	vadd.s32 $0xA90, v42  }
0x9c: {  	v29 =	vld.idx.msk [tilespmem:v49+s3+$0x0], $0xffff;
	v63 =	vsub.f32 v33, v34;
	v55 =	vadd.s32 $0x1, v42;
	v38 =	vadd.s32 v37, v56  }
0x9d: {  	v12 =	vld.idx.msk [tilespmem:v12+s3+$0x0], $0xffff;
	v21 =	vmul.f32 v21, v16;
	vm15 =	vlt.s32 v55, v39;
	v59 =	vadd.s32 $0x1520, v38  }
0x9e: {  	v50 =	vmul.f32 v63, v14;
	v39 =	vsel vm15, v55, v39;
	v54 =	vadd.s32 $0xA90, v38;
	v44 =	vld.idx.msk [tilespmem:v42+s9+$0x0], $0xffff  }
0x9f: {  	v21 =	vadd.f32 v21, v25;
	v31 =	vsub.f32 v31, v40;
	v58 =	vsub.s32 v39, v42;
	v19 =	vld.idx.msk [tilespmem:v57+s9+$0x0], $0xffff  }
0xa0: {  	v51 =	vmul.f32 v28, v16;
	v10 =	vadd.f32 v50, v34;
	v61 =	vadd.s32 v38, v58;
	v34 =	vld.idx.msk [tilespmem:v60+s9+$0x0], $0xffff  }
0xa1: {  	v27 =	vmul.f32 v27, v20;
	v8 =	vmul.f32 v29, v8;
	v62 =	vadd.s32 $0x1520, v39;
	v45 =	vld.idx.msk [tilespmem:v38+s9+$0x0], $0xffff  }
0xa2: {  	v7 =	vadd.f32 v7, v17;
	v16 =	vadd.f32 v51, v24;
	v48 =	vadd.s32 $0x1520, v61;
	v53 =	vld.idx.msk [tilespmem:v59+s9+$0x0], $0xffff  }
0xa3: {  	v43 =	vadd.f32 v27, v22;
	v8 =	vmul.f32 v8, v12;
	v52 =	vadd.s32 $0xA90, v39;
	v12 =	vld.idx.msk [tilespmem:v54+s9+$0x0], $0xffff  }
0xa4: {  	v16 =	vmul.f32 v16, v15;
	v58 =	vsub.f32 v35, v26;
	v49 =	vadd.s32 $0xA90, v61;
	v41 =	vld.idx.msk [tilespmem:v39+s9+$0x0], $0xffff  }
0xa5: {  	v46 =	vcvt.s32.f32 v37;
	v57 =	vsub.f32 v32, v30;
	v18 =	vld.idx.msk [tilespmem:v61+s9+$0x0], $0xffff;
	v61 =	vmov s22  }
0xa6: {  	v6 =	vadd.f32 v16, v6;
	v32 =	vmul.f32 v58, v20;
	v55 =	vld.idx.msk [tilespmem:v62+s9+$0x0], $0xffff;
	v62 =	vmul.u32 $0xFFFFFFFB, v61  }
0xa7: {  	v5 =	vsub.f32 v5, v46;
	v25 =	vmul.f32 v57, v20;
	v20 =	vmul.f32 v31, v20;
	v56 =	vld.idx.msk [tilespmem:v48+s9+$0x0], $0xffff  }
0xa8: {  	v54 =	vcvt.s32.f32 v23;
	v17 =	vld.idx.msk [tilespmem:v52+s9+$0x0], $0xffff;
	v63 =	vmul.u32 $0x50, v61;
	v42 =	vadd.s32 s20, v62  }
0xa9: {  	v26 =	vadd.f32 v32, v26;
	v25 =	vadd.f32 v25, v30;
	v59 =	vld.idx.msk [tilespmem:v49+s9+$0x0], $0xffff;
	v32 =	vmul.u32 $0x50, v42  }
0xaa: {  	v20 =	vadd.f32 v20, v40;
	v9 =	vsub.f32 v9, v54;
	v3 =	vadd.s32 v63, v3  }
0xab: {  	v26 =	vsub.f32 v26, v43;
	v29 =	vsub.f32 v55, v19;
	v2 =	vadd.s32 v32, v2  }
0xac: {  	v47 =	vadd.s32 v4, v13;
	v25 =	vsub.f32 v25, v20;
	v48 =	vsub.f32 v56, v53  }
0xad: {  	v50 =	vsub.f32 v41, v44;
	v18 =	vsub.f32 v18, v45;
	v49 =	vmul.f32 v29, v5  }
0xae: {  	v17 =	vsub.f32 v17, v34;
	v51 =	vsub.f32 v59, v12;
	v13 =	vmul.f32 v48, v5  }
0xaf: {  	v52 =	vmul.f32 v50, v5;
	v18 =	vmul.f32 v18, v5;
	v3 =	vld.idx.msk [tilespmem:v3+s3+$0x0], $0xffff;
	v16 =	vadd.f32 v49, v19  }
0xb0: {  	v13 =	vadd.f32 v13, v53;
	v53 =	vmul.f32 v51, v5;
	v5 =	vmul.f32 v17, v5;
	v2 =	vld.idx.msk [tilespmem:v2+s3+$0x0], $0xffff  }
0xb1: {  	v19 =	vadd.f32 v52, v44;
	v18 =	vadd.f32 v18, v45  }
0xb2: {  	v4 =	vld.idx.msk [tilespmem:v47+s3+$0x0], $0xffff;
	v10 =	vmul.f32 v10, v8;
	v12 =	vadd.f32 v53, v12;
	v5 =	vadd.f32 v5, v34  }
0xb3: {  	v55 =	vmul.f32 v21, v15;
	v56 =	vmul.f32 v26, v14;
	v57 =	vsub.f32 v18, v19  }
0xb4: {  	v14 =	vmul.f32 v25, v14;
	v13 =	vsub.f32 v13, v16;
	v12 =	vsub.f32 v12, v5  }
0xb5: {  	v58 =	vadd.f32 v56, v43;
	v2 =	vmul.f32 v2, v3;
	v3 =	vmul.f32 v57, v9  }
0xb6: {  	v14 =	vadd.f32 v14, v20;
	v13 =	vmul.f32 v13, v9;
	v9 =	vmul.f32 v12, v9  }
0xb7: {  	v59 =	vmul.f32 v58, v8;
	v2 =	vmul.f32 v2, v4;
	v3 =	vadd.f32 v3, v19  }
0xb8: {  	v7 =	vadd.f32 v55, v7;
	v8 =	vmul.f32 v14, v8;
	v5 =	vadd.f32 v9, v5  }
0xb9: {  	s17 =	sadd.s32 $0x1, s17;
	v60 =	vadd.f32 v13, v16;
	v4 =	vadd.f32 v59, v6;
	v3 =	vmul.f32 v3, v2  }
0xba: {  	p0 =	sne.s32 s17, $0x5;
	v61 =	vadd.f32 v8, v7;
	v5 =	vmul.f32 v5, v2  }
.Ltmp2:
0xbb: {  	v62 =	vadd.f32 v10, v11;
	v2 =	vmul.f32 v60, v2;
	v3 =	vadd.f32 v3, v4;
	(pc) =	sbr.rel @p0 .LBB2_4-.Ltmp2, $4  }
0xbc: {  	v63 =	vadd.f32 v5, v61  }
0xbd: {  	v2 =	vadd.f32 v2, v62;
	[tilespmem:s18+$0x3A40] =	vst v3  }
0xbe: {  	[tilespmem:s18+$0x3A90] =	vst v63  }
0xbf: {  	[tilespmem:s18+$0x3AE0] =	vst v2  }
0xc0: {  	[hbm4b:s5+s3] =	stream.linear.scatter [tilespmem:s11], [sflag:$0x2], $0x48, $0x38;
	[tilespmem:$0x3B30] =	vst v63  }
0xc1: {  	_ =	swait.ge [sflag:s12], $0x48  }
0xc2: {  	[sflag:s12] =	ssyncset.done $0x0  }
0xc3: {  	[sflag:s12] =	ssyncadd.s32 $0xFFFFFFB8  }
0xc4: {  	[hbm4b:s6+s3] =	stream.linear.scatter [tilespmem:s13], [sflag:$0x2], $0x48, $0x38;
	[tilespmem:$0x3B30] =	vst v63  }
0xc5: {  	s15 =	sadd.s32 $0x1, s15;
	_ =	swait.ge [sflag:s12], $0x48  }
0xc6: {  	p0 =	sne.s32 s15, s8;
	[sflag:s12] =	ssyncset.done $0x0  }
.Ltmp3:
0xc7: {  	[sflag:s12] =	ssyncadd.s32 $0xFFFFFFB8;
	(pc) =	sbr.rel @p0 .LBB2_1-.Ltmp3, $4  }
0xc8: {  	[hbm4b:s7+s3] =	stream.linear.scatter [tilespmem:s14], [sflag:$0x2], $0x48, $0x38;
	[tilespmem:$0x3B30] =	vst v63  }
0xc9: {  	_ =	swait.ge [sflag:s12], $0x48  }
0xca: {  	[sflag:s12] =	ssyncset.done $0x0  }
0xcb: {  	[sflag:s12] =	ssyncadd.s32 $0xFFFFFFB8  }
0xcc: {  	_ =	sfence.sel $0x180000  }
0xcd: {  	[bflag:$0x0] =	sbarrier.arrive $0xFFFF  }
0xce: {  	p0 =	sne.s32 s0, $0x0;
	_ =	strace $0x90000047  }
0xcf: {  	s0 =	sadd.s32 @!p0 $0x100000, s1;
	[bflag:$0x2] =	sbarrier.arrive $0xFFFF  }
0xd0: {  	[sflag:s0] =	ssyncadd.tile.s32 @!p0 $0x1;
	_ =	shalt  }
.Lfunc_end2:
_tile_overlayer_lowered:
.L_overlay_start_2:
0xd1: {  	(tag) =	ssettag $0x2  }
0xd2: {  	s0 =	rddreg [dreg:$0x0];
	s2 =	stileid.u32  }
0xd3: {  	s1 =	rddreg [dreg:$0x1];
	p0 =	sne.s32 s2, $0x0  }
0xd4: {  	s3 =	rddreg [dreg:$0x2];
	[bflag:$0x3] =	sbarrier.arrive $0xFFFF;
	s2 =	simm.s32 @!p0 $0x1C02  }
0xd5: {  	[timem:s3], [sflag:s2] =	dma.local @!p0 [hbm:s0], s1  }
0xd6: {  	s0 =	simm.s32 @!p0 $0x2  }
0xd7: {  	_ =	swait.ge @!p0 [sflag:s0], s1  }
0xd8: {  	s1 =	ssub.s32 @!p0 $0x0, s1;
	[sflag:s0] =	ssyncset.done @!p0 $0x0  }
0xd9: {  	[sflag:s0] =	ssyncadd.s32 @!p0 s1  }
0xda: {  	[bflag:$0x3] =	sbarrier.arrive $0xFFFF  }
0xdb: {  	_ =	shalt  }

</sc_bundles>
